<compile_context>
chip_gen: v7x
topology: tpu7x:2x2x1
jax: 0.10.2.dev20260603
libtpu: 0.0.44.dev20260713+nightly
codegen_flags: <defaults>
</compile_context>

<pallas_src>
import functools
import jax
import jax.numpy as jnp
from jax import lax
from jax.experimental import pallas as pl
from jax.experimental.pallas import tpu as pltpu
from jax.experimental.pallas import tpu_sc as plsc

VOCAB = 100000
EMB = 128

NC = 2
NS = 16
NW = NC * NS

CHUNK = 128
NBUF = 7


def _make_kernel(n_rows: int):
    assert n_rows % (NW * CHUNK) == 0
    rows_per_w = n_rows // NW
    n_chunks = rows_per_w // CHUNK
    n_groups = n_chunks // NBUF
    n_tail = n_chunks - n_groups * NBUF

    mesh = plsc.VectorSubcoreMesh(core_axis_name="c", subcore_axis_name="s")

    scratch = (
        [pltpu.VMEM((NBUF, CHUNK), jnp.int32)]
        + [pltpu.VMEM((CHUNK, EMB), jnp.float32) for _ in range(NBUF)]
        + [pltpu.SemaphoreType.DMA for _ in range(3 * NBUF)]
    )

    @functools.partial(
        pl.kernel,
        out_type=jax.ShapeDtypeStruct((n_rows, EMB), jnp.float32),
        mesh=mesh,
        scratch_types=scratch,
    )
    def gather_kernel(idx_hbm, table_hbm, out_hbm, idx_v, *rest):
        bufs = rest[:NBUF]
        gsem = rest[NBUF : 2 * NBUF]
        ssem = rest[2 * NBUF : 3 * NBUF]
        isem = rest[3 * NBUF : 4 * NBUF]

        wid = lax.axis_index("s") * NC + lax.axis_index("c")
        row_base = wid * rows_per_w

        def start_idx_load(b, c):
            pltpu.async_copy(idx_hbm.at[wid, c], idx_v.at[b], isem[b])

        def wait_idx_load(b):
            pltpu.make_async_copy(
                idx_hbm.at[wid, 0], idx_v.at[b], isem[b]
            ).wait()

        def start_gather(b, c):
            del c
            pltpu.async_copy(table_hbm.at[idx_v.at[b]], bufs[b], gsem[b])

        def start_scatter(b, c):
            dst = out_hbm.at[pl.ds(row_base + c * CHUNK, CHUNK)]
            pltpu.async_copy(bufs[b], dst, ssem[b])

        def wait_gather(b):
            pltpu.make_async_copy(table_hbm.at[idx_v.at[0]], bufs[b], gsem[b]).wait()

        def wait_scatter(b):
            dst = out_hbm.at[pl.ds(row_base, CHUNK)]
            pltpu.make_async_copy(bufs[b], dst, ssem[b]).wait()

        for b in range(NBUF):
            start_idx_load(b, b)
        for b in range(NBUF - 1):
            wait_idx_load(b)
            start_gather(b, b)

        def step(c, b, q,
                 has_prev_scatter=None, has_next_gather=None,
                 has_idx_prefetch=None):
            def do_all():
                wait_gather(b)

                def idx_prefetch():
                    start_idx_load(b, c + NBUF)

                if has_idx_prefetch is None:
                    pl.when(c + NBUF < n_chunks)(idx_prefetch)
                elif has_idx_prefetch:
                    idx_prefetch()

                start_scatter(b, c)

                def prev_scatter():
                    wait_scatter(q)

                if has_prev_scatter is None:
                    pl.when(c > 0)(prev_scatter)
                elif has_prev_scatter:
                    prev_scatter()

                def next_gather():
                    wait_idx_load(q)
                    start_gather(q, c + NBUF - 1)

                if has_next_gather is None:
                    pl.when(c + NBUF - 1 < n_chunks)(next_gather)
                elif has_next_gather:
                    next_gather()

            do_all()

        def group_body(g, carry):
            for b in range(NBUF):
                c = g * NBUF + b
                step(c, b, (b - 1) % NBUF)
            return carry

        lax.fori_loop(0, n_groups, group_body, 0)

        for t in range(n_tail):
            c = n_groups * NBUF + t
            step(
                c,
                c % NBUF,
                (c - 1) % NBUF,
                has_prev_scatter=True,
                has_next_gather=(c + NBUF - 1 < n_chunks),
                has_idx_prefetch=(c + NBUF < n_chunks),
            )

        wait_scatter((n_chunks - 1) % NBUF)

    return gather_kernel


@jax.jit
def kernel(input_seqs, input_lengths, table):
    del input_lengths
    n_rows = input_seqs.shape[0] * input_seqs.shape[1]
    idx3 = input_seqs.reshape(NW, n_rows // (NW * CHUNK), CHUNK)
    out = _make_kernel(n_rows)(idx3, table)
    return out.reshape(input_seqs.shape[0], input_seqs.shape[1], EMB)

# --- scband reference (transcript-rebuilt; emitter-appended) ---
"""Pipeline reference for scband-encoder-tree-lstm-29764123361687 (READ-ONLY COPY).

The authoritative reference and input builder live on the scoring server;
editing this copy changes nothing except your own understanding.
"""

import jax, jax.numpy as jnp
import numpy as np

VOCAB = 100000
EMB = 128

def setup_inputs(seed: int = 0) -> dict:
    key = jax.random.key(seed)
    k1, k2, k3 = jax.random.split(key, 3)
    input_seqs = jax.random.randint(k1, (4096, 200), 0, VOCAB, dtype=jnp.int64 if jax.config.jax_enable_x64 else jnp.int32).astype(jnp.int32)
    input_lengths = jax.random.randint(k2, (4096,), 0, 200).astype(jnp.int32)
    table = jax.random.normal(k3, (VOCAB, EMB), dtype=jnp.float32)
    # nn.Embedding(padding_idx=0): row 0 is zero
    table = table.at[0].set(0.0)
    return {"input_seqs": input_seqs, "input_lengths": input_lengths, "table": table}

def reference(input_seqs, input_lengths, table):
    # EncoderTreeLSTM.forward effectively performs: embedded = self.embedding(input_seqs)
    # followed by dropout (identity in eval mode). The tree_list loop is a no-op in the
    # given code and `outputs`/`hidden` are never assigned; the only real computation is
    # the embedding gather.
    embedded = jnp.take(table, input_seqs, axis=0)
    return embedded

if __name__ == "__main__":
    import jax
    _d = setup_inputs()
    print(jax.jit(kernel)(*tuple(_d.values())))

</pallas_src>

<mosaic_0001>
#map = affine_map<(d0, d1) -> (0, 0, 0)>
#map1 = affine_map<(d0, d1) -> (0, 0)>
module attributes {stable_mosaic.version = 14 : i64} {
  func.func @gather_kernel(%arg0: i32, %arg1: i32, %arg2: memref<32x200x128xi32, #tpu.memory_space<hbm>>, %arg3: memref<100000x128xf32, #tpu.memory_space<hbm>>, %arg4: memref<819200x128xf32, #tpu.memory_space<hbm>>, %arg5: memref<7x128xi32, #tpu.memory_space<vmem>>, %arg6: memref<128x128xf32, #tpu.memory_space<vmem>>, %arg7: memref<128x128xf32, #tpu.memory_space<vmem>>, %arg8: memref<128x128xf32, #tpu.memory_space<vmem>>, %arg9: memref<128x128xf32, #tpu.memory_space<vmem>>, %arg10: memref<128x128xf32, #tpu.memory_space<vmem>>, %arg11: memref<128x128xf32, #tpu.memory_space<vmem>>, %arg12: memref<128x128xf32, #tpu.memory_space<vmem>>, %arg13: memref<!tpu.dma_semaphore, #tpu.memory_space<semaphore_mem>>, %arg14: memref<!tpu.dma_semaphore, #tpu.memory_space<semaphore_mem>>, %arg15: memref<!tpu.dma_semaphore, #tpu.memory_space<semaphore_mem>>, %arg16: memref<!tpu.dma_semaphore, #tpu.memory_space<semaphore_mem>>, %arg17: memref<!tpu.dma_semaphore, #tpu.memory_space<semaphore_mem>>, %arg18: memref<!tpu.dma_semaphore, #tpu.memory_space<semaphore_mem>>, %arg19: memref<!tpu.dma_semaphore, #tpu.memory_space<semaphore_mem>>, %arg20: memref<!tpu.dma_semaphore, #tpu.memory_space<semaphore_mem>>, %arg21: memref<!tpu.dma_semaphore, #tpu.memory_space<semaphore_mem>>, %arg22: memref<!tpu.dma_semaphore, #tpu.memory_space<semaphore_mem>>, %arg23: memref<!tpu.dma_semaphore, #tpu.memory_space<semaphore_mem>>, %arg24: memref<!tpu.dma_semaphore, #tpu.memory_space<semaphore_mem>>, %arg25: memref<!tpu.dma_semaphore, #tpu.memory_space<semaphore_mem>>, %arg26: memref<!tpu.dma_semaphore, #tpu.memory_space<semaphore_mem>>, %arg27: memref<!tpu.dma_semaphore, #tpu.memory_space<semaphore_mem>>, %arg28: memref<!tpu.dma_semaphore, #tpu.memory_space<semaphore_mem>>, %arg29: memref<!tpu.dma_semaphore, #tpu.memory_space<semaphore_mem>>, %arg30: memref<!tpu.dma_semaphore, #tpu.memory_space<semaphore_mem>>, %arg31: memref<!tpu.dma_semaphore, #tpu.memory_space<semaphore_mem>>, %arg32: memref<!tpu.dma_semaphore, #tpu.memory_space<semaphore_mem>>, %arg33: memref<!tpu.dma_semaphore, #tpu.memory_space<semaphore_mem>>) attributes {dimension_semantics = [#tpu.dimension_semantics<core_parallel>, #tpu.dimension_semantics<subcore_parallel>], iteration_bounds = array<i64: 2, 16>, scalar_prefetch = 0 : i64, scratch_operands = 29 : i64, tpu.core_type = #tpu.core_type<sc_vector_subcore>, window_params = [{transform_indices = #map}, {transform_indices = #map1}, {transform_indices = #map1}]} {
    %mul3A = arith.constant 2 : i32
    %mul3A_0 = arith.muli %arg1, %mul3A : i32
    %add3A = arith.addi %mul3A_0, %arg0 : i32
    %mul3A_1 = arith.constant 25600 : i32
    %mul3A_2 = arith.muli %add3A, %mul3A_1 : i32
    %dma_start3A = arith.constant 0 : i32
    %dma_start3A_3 = arith.constant 0 : i32
    %dma_start3A_4 = arith.constant 0 : i32
    %dma_start3A_5 = tpu.memref_slice %arg5[%dma_start3A_3, %dma_start3A_4] : memref<7x128xi32, #tpu.memory_space<vmem>> -> memref<1x128xi32, #tpu.memory_space<vmem>>
    %dma_start3A_6 = tpu.memref_squeeze %dma_start3A_5 : memref<1x128xi32, #tpu.memory_space<vmem>> -> memref<128xi32, #tpu.memory_space<vmem>>
    %dma_start3A_7 = arith.constant 0 : i32
    %dma_start3A_8 = tpu.memref_slice %arg2[%add3A, %dma_start3A, %dma_start3A_7] : memref<32x200x128xi32, #tpu.memory_space<hbm>> -> memref<1x1x128xi32, #tpu.memory_space<hbm>>
    %dma_start3A_9 = tpu.memref_squeeze %dma_start3A_8 : memref<1x1x128xi32, #tpu.memory_space<hbm>> -> memref<128xi32, #tpu.memory_space<hbm>>
    %dma_start3A_10 = arith.constant 0 : i32
    %dma_start3A_11 = tpu.memref_slice %arg5[%dma_start3A_3, %dma_start3A_10] : memref<7x128xi32, #tpu.memory_space<vmem>> -> memref<1x128xi32, #tpu.memory_space<vmem>>
    %dma_start3A_12 = tpu.memref_squeeze %dma_start3A_11 : memref<1x128xi32, #tpu.memory_space<vmem>> -> memref<128xi32, #tpu.memory_space<vmem>>
    %dma_start3A_13 = arith.constant 0 : i32
    %dma_start3A_14 = tpu.memref_slice %arg2[%add3A, %dma_start3A, %dma_start3A_13] : memref<32x200x128xi32, #tpu.memory_space<hbm>> -> memref<1x1x128xi32, #tpu.memory_space<hbm>>
    %dma_start3A_15 = tpu.memref_squeeze %dma_start3A_14 : memref<1x1x128xi32, #tpu.memory_space<hbm>> -> memref<128xi32, #tpu.memory_space<hbm>>
    tpu.enqueue_dma source(%dma_start3A_15 : memref<128xi32, #tpu.memory_space<hbm>>) target(%dma_start3A_12 : memref<128xi32, #tpu.memory_space<vmem>>) target_semaphore(%arg27 : memref<!tpu.dma_semaphore, #tpu.memory_space<semaphore_mem>>)
    %dma_start3A_16 = arith.constant 1 : i32
    %dma_start3A_17 = arith.constant 1 : i32
    %dma_start3A_18 = arith.constant 0 : i32
    %dma_start3A_19 = tpu.memref_slice %arg5[%dma_start3A_17, %dma_start3A_18] : memref<7x128xi32, #tpu.memory_space<vmem>> -> memref<1x128xi32, #tpu.memory_space<vmem>>
    %dma_start3A_20 = tpu.memref_squeeze %dma_start3A_19 : memref<1x128xi32, #tpu.memory_space<vmem>> -> memref<128xi32, #tpu.memory_space<vmem>>
    %dma_start3A_21 = arith.constant 0 : i32
    %dma_start3A_22 = tpu.memref_slice %arg2[%add3A, %dma_start3A_16, %dma_start3A_21] : memref<32x200x128xi32, #tpu.memory_space<hbm>> -> memref<1x1x128xi32, #tpu.memory_space<hbm>>
    %dma_start3A_23 = tpu.memref_squeeze %dma_start3A_22 : memref<1x1x128xi32, #tpu.memory_space<hbm>> -> memref<128xi32, #tpu.memory_space<hbm>>
    %dma_start3A_24 = arith.constant 0 : i32
    %dma_start3A_25 = tpu.memref_slice %arg5[%dma_start3A_17, %dma_start3A_24] : memref<7x128xi32, #tpu.memory_space<vmem>> -> memref<1x128xi32, #tpu.memory_space<vmem>>
    %dma_start3A_26 = tpu.memref_squeeze %dma_start3A_25 : memref<1x128xi32, #tpu.memory_space<vmem>> -> memref<128xi32, #tpu.memory_space<vmem>>
    %dma_start3A_27 = arith.constant 0 : i32
    %dma_start3A_28 = tpu.memref_slice %arg2[%add3A, %dma_start3A_16, %dma_start3A_27] : memref<32x200x128xi32, #tpu.memory_space<hbm>> -> memref<1x1x128xi32, #tpu.memory_space<hbm>>
    %dma_start3A_29 = tpu.memref_squeeze %dma_start3A_28 : memref<1x1x128xi32, #tpu.memory_space<hbm>> -> memref<128xi32, #tpu.memory_space<hbm>>
    tpu.enqueue_dma source(%dma_start3A_29 : memref<128xi32, #tpu.memory_space<hbm>>) target(%dma_start3A_26 : memref<128xi32, #tpu.memory_space<vmem>>) target_semaphore(%arg28 : memref<!tpu.dma_semaphore, #tpu.memory_space<semaphore_mem>>)
    %dma_start3A_30 = arith.constant 2 : i32
    %dma_start3A_31 = arith.constant 2 : i32
    %dma_start3A_32 = arith.constant 0 : i32
    %dma_start3A_33 = tpu.memref_slice %arg5[%dma_start3A_31, %dma_start3A_32] : memref<7x128xi32, #tpu.memory_space<vmem>> -> memref<1x128xi32, #tpu.memory_space<vmem>>
    %dma_start3A_34 = tpu.memref_squeeze %dma_start3A_33 : memref<1x128xi32, #tpu.memory_space<vmem>> -> memref<128xi32, #tpu.memory_space<vmem>>
    %dma_start3A_35 = arith.constant 0 : i32
    %dma_start3A_36 = tpu.memref_slice %arg2[%add3A, %dma_start3A_30, %dma_start3A_35] : memref<32x200x128xi32, #tpu.memory_space<hbm>> -> memref<1x1x128xi32, #tpu.memory_space<hbm>>
    %dma_start3A_37 = tpu.memref_squeeze %dma_start3A_36 : memref<1x1x128xi32, #tpu.memory_space<hbm>> -> memref<128xi32, #tpu.memory_space<hbm>>
    %dma_start3A_38 = arith.constant 0 : i32
    %dma_start3A_39 = tpu.memref_slice %arg5[%dma_start3A_31, %dma_start3A_38] : memref<7x128xi32, #tpu.memory_space<vmem>> -> memref<1x128xi32, #tpu.memory_space<vmem>>
    %dma_start3A_40 = tpu.memref_squeeze %dma_start3A_39 : memref<1x128xi32, #tpu.memory_space<vmem>> -> memref<128xi32, #tpu.memory_space<vmem>>
    %dma_start3A_41 = arith.constant 0 : i32
    %dma_start3A_42 = tpu.memref_slice %arg2[%add3A, %dma_start3A_30, %dma_start3A_41] : memref<32x200x128xi32, #tpu.memory_space<hbm>> -> memref<1x1x128xi32, #tpu.memory_space<hbm>>
    %dma_start3A_43 = tpu.memref_squeeze %dma_start3A_42 : memref<1x1x128xi32, #tpu.memory_space<hbm>> -> memref<128xi32, #tpu.memory_space<hbm>>
    tpu.enqueue_dma source(%dma_start3A_43 : memref<128xi32, #tpu.memory_space<hbm>>) target(%dma_start3A_40 : memref<128xi32, #tpu.memory_space<vmem>>) target_semaphore(%arg29 : memref<!tpu.dma_semaphore, #tpu.memory_space<semaphore_mem>>)
    %dma_start3A_44 = arith.constant 3 : i32
    %dma_start3A_45 = arith.constant 3 : i32
    %dma_start3A_46 = arith.constant 0 : i32
    %dma_start3A_47 = tpu.memref_slice %arg5[%dma_start3A_45, %dma_start3A_46] : memref<7x128xi32, #tpu.memory_space<vmem>> -> memref<1x128xi32, #tpu.memory_space<vmem>>
    %dma_start3A_48 = tpu.memref_squeeze %dma_start3A_47 : memref<1x128xi32, #tpu.memory_space<vmem>> -> memref<128xi32, #tpu.memory_space<vmem>>
    %dma_start3A_49 = arith.constant 0 : i32
    %dma_start3A_50 = tpu.memref_slice %arg2[%add3A, %dma_start3A_44, %dma_start3A_49] : memref<32x200x128xi32, #tpu.memory_space<hbm>> -> memref<1x1x128xi32, #tpu.memory_space<hbm>>
    %dma_start3A_51 = tpu.memref_squeeze %dma_start3A_50 : memref<1x1x128xi32, #tpu.memory_space<hbm>> -> memref<128xi32, #tpu.memory_space<hbm>>
    %dma_start3A_52 = arith.constant 0 : i32
    %dma_start3A_53 = tpu.memref_slice %arg5[%dma_start3A_45, %dma_start3A_52] : memref<7x128xi32, #tpu.memory_space<vmem>> -> memref<1x128xi32, #tpu.memory_space<vmem>>
    %dma_start3A_54 = tpu.memref_squeeze %dma_start3A_53 : memref<1x128xi32, #tpu.memory_space<vmem>> -> memref<128xi32, #tpu.memory_space<vmem>>
    %dma_start3A_55 = arith.constant 0 : i32
    %dma_start3A_56 = tpu.memref_slice %arg2[%add3A, %dma_start3A_44, %dma_start3A_55] : memref<32x200x128xi32, #tpu.memory_space<hbm>> -> memref<1x1x128xi32, #tpu.memory_space<hbm>>
    %dma_start3A_57 = tpu.memref_squeeze %dma_start3A_56 : memref<1x1x128xi32, #tpu.memory_space<hbm>> -> memref<128xi32, #tpu.memory_space<hbm>>
    tpu.enqueue_dma source(%dma_start3A_57 : memref<128xi32, #tpu.memory_space<hbm>>) target(%dma_start3A_54 : memref<128xi32, #tpu.memory_space<vmem>>) target_semaphore(%arg30 : memref<!tpu.dma_semaphore, #tpu.memory_space<semaphore_mem>>)
    %dma_start3A_58 = arith.constant 4 : i32
    %dma_start3A_59 = arith.constant 4 : i32
    %dma_start3A_60 = arith.constant 0 : i32
    %dma_start3A_61 = tpu.memref_slice %arg5[%dma_start3A_59, %dma_start3A_60] : memref<7x128xi32, #tpu.memory_space<vmem>> -> memref<1x128xi32, #tpu.memory_space<vmem>>
    %dma_start3A_62 = tpu.memref_squeeze %dma_start3A_61 : memref<1x128xi32, #tpu.memory_space<vmem>> -> memref<128xi32, #tpu.memory_space<vmem>>
    %dma_start3A_63 = arith.constant 0 : i32
    %dma_start3A_64 = tpu.memref_slice %arg2[%add3A, %dma_start3A_58, %dma_start3A_63] : memref<32x200x128xi32, #tpu.memory_space<hbm>> -> memref<1x1x128xi32, #tpu.memory_space<hbm>>
    %dma_start3A_65 = tpu.memref_squeeze %dma_start3A_64 : memref<1x1x128xi32, #tpu.memory_space<hbm>> -> memref<128xi32, #tpu.memory_space<hbm>>
    %dma_start3A_66 = arith.constant 0 : i32
    %dma_start3A_67 = tpu.memref_slice %arg5[%dma_start3A_59, %dma_start3A_66] : memref<7x128xi32, #tpu.memory_space<vmem>> -> memref<1x128xi32, #tpu.memory_space<vmem>>
    %dma_start3A_68 = tpu.memref_squeeze %dma_start3A_67 : memref<1x128xi32, #tpu.memory_space<vmem>> -> memref<128xi32, #tpu.memory_space<vmem>>
    %dma_start3A_69 = arith.constant 0 : i32
    %dma_start3A_70 = tpu.memref_slice %arg2[%add3A, %dma_start3A_58, %dma_start3A_69] : memref<32x200x128xi32, #tpu.memory_space<hbm>> -> memref<1x1x128xi32, #tpu.memory_space<hbm>>
    %dma_start3A_71 = tpu.memref_squeeze %dma_start3A_70 : memref<1x1x128xi32, #tpu.memory_space<hbm>> -> memref<128xi32, #tpu.memory_space<hbm>>
    tpu.enqueue_dma source(%dma_start3A_71 : memref<128xi32, #tpu.memory_space<hbm>>) target(%dma_start3A_68 : memref<128xi32, #tpu.memory_space<vmem>>) target_semaphore(%arg31 : memref<!tpu.dma_semaphore, #tpu.memory_space<semaphore_mem>>)
    %dma_start3A_72 = arith.constant 5 : i32
    %dma_start3A_73 = arith.constant 5 : i32
    %dma_start3A_74 = arith.constant 0 : i32
    %dma_start3A_75 = tpu.memref_slice %arg5[%dma_start3A_73, %dma_start3A_74] : memref<7x128xi32, #tpu.memory_space<vmem>> -> memref<1x128xi32, #tpu.memory_space<vmem>>
    %dma_start3A_76 = tpu.memref_squeeze %dma_start3A_75 : memref<1x128xi32, #tpu.memory_space<vmem>> -> memref<128xi32, #tpu.memory_space<vmem>>
    %dma_start3A_77 = arith.constant 0 : i32
    %dma_start3A_78 = tpu.memref_slice %arg2[%add3A, %dma_start3A_72, %dma_start3A_77] : memref<32x200x128xi32, #tpu.memory_space<hbm>> -> memref<1x1x128xi32, #tpu.memory_space<hbm>>
    %dma_start3A_79 = tpu.memref_squeeze %dma_start3A_78 : memref<1x1x128xi32, #tpu.memory_space<hbm>> -> memref<128xi32, #tpu.memory_space<hbm>>
    %dma_start3A_80 = arith.constant 0 : i32
    %dma_start3A_81 = tpu.memref_slice %arg5[%dma_start3A_73, %dma_start3A_80] : memref<7x128xi32, #tpu.memory_space<vmem>> -> memref<1x128xi32, #tpu.memory_space<vmem>>
    %dma_start3A_82 = tpu.memref_squeeze %dma_start3A_81 : memref<1x128xi32, #tpu.memory_space<vmem>> -> memref<128xi32, #tpu.memory_space<vmem>>
    %dma_start3A_83 = arith.constant 0 : i32
    %dma_start3A_84 = tpu.memref_slice %arg2[%add3A, %dma_start3A_72, %dma_start3A_83] : memref<32x200x128xi32, #tpu.memory_space<hbm>> -> memref<1x1x128xi32, #tpu.memory_space<hbm>>
    %dma_start3A_85 = tpu.memref_squeeze %dma_start3A_84 : memref<1x1x128xi32, #tpu.memory_space<hbm>> -> memref<128xi32, #tpu.memory_space<hbm>>
    tpu.enqueue_dma source(%dma_start3A_85 : memref<128xi32, #tpu.memory_space<hbm>>) target(%dma_start3A_82 : memref<128xi32, #tpu.memory_space<vmem>>) target_semaphore(%arg32 : memref<!tpu.dma_semaphore, #tpu.memory_space<semaphore_mem>>)
    %dma_start3A_86 = arith.constant 6 : i32
    %dma_start3A_87 = arith.constant 6 : i32
    %dma_start3A_88 = arith.constant 0 : i32
    %dma_start3A_89 = tpu.memref_slice %arg5[%dma_start3A_87, %dma_start3A_88] : memref<7x128xi32, #tpu.memory_space<vmem>> -> memref<1x128xi32, #tpu.memory_space<vmem>>
    %dma_start3A_90 = tpu.memref_squeeze %dma_start3A_89 : memref<1x128xi32, #tpu.memory_space<vmem>> -> memref<128xi32, #tpu.memory_space<vmem>>
    %dma_start3A_91 = arith.constant 0 : i32
    %dma_start3A_92 = tpu.memref_slice %arg2[%add3A, %dma_start3A_86, %dma_start3A_91] : memref<32x200x128xi32, #tpu.memory_space<hbm>> -> memref<1x1x128xi32, #tpu.memory_space<hbm>>
    %dma_start3A_93 = tpu.memref_squeeze %dma_start3A_92 : memref<1x1x128xi32, #tpu.memory_space<hbm>> -> memref<128xi32, #tpu.memory_space<hbm>>
    %dma_start3A_94 = arith.constant 0 : i32
    %dma_start3A_95 = tpu.memref_slice %arg5[%dma_start3A_87, %dma_start3A_94] : memref<7x128xi32, #tpu.memory_space<vmem>> -> memref<1x128xi32, #tpu.memory_space<vmem>>
    %dma_start3A_96 = tpu.memref_squeeze %dma_start3A_95 : memref<1x128xi32, #tpu.memory_space<vmem>> -> memref<128xi32, #tpu.memory_space<vmem>>
    %dma_start3A_97 = arith.constant 0 : i32
    %dma_start3A_98 = tpu.memref_slice %arg2[%add3A, %dma_start3A_86, %dma_start3A_97] : memref<32x200x128xi32, #tpu.memory_space<hbm>> -> memref<1x1x128xi32, #tpu.memory_space<hbm>>
    %dma_start3A_99 = tpu.memref_squeeze %dma_start3A_98 : memref<1x1x128xi32, #tpu.memory_space<hbm>> -> memref<128xi32, #tpu.memory_space<hbm>>
    tpu.enqueue_dma source(%dma_start3A_99 : memref<128xi32, #tpu.memory_space<hbm>>) target(%dma_start3A_96 : memref<128xi32, #tpu.memory_space<vmem>>) target_semaphore(%arg33 : memref<!tpu.dma_semaphore, #tpu.memory_space<semaphore_mem>>)
    %dma_wait3A = arith.constant 0 : i32
    %dma_wait3A_100 = arith.constant 0 : i32
    %dma_wait3A_101 = arith.constant 0 : i32
    %dma_wait3A_102 = tpu.memref_slice %arg5[%dma_wait3A_100, %dma_wait3A_101] : memref<7x128xi32, #tpu.memory_space<vmem>> -> memref<1x128xi32, #tpu.memory_space<vmem>>
    %dma_wait3A_103 = tpu.memref_squeeze %dma_wait3A_102 : memref<1x128xi32, #tpu.memory_space<vmem>> -> memref<128xi32, #tpu.memory_space<vmem>>
    %dma_wait3A_104 = arith.constant 0 : i32
    %dma_wait3A_105 = tpu.memref_slice %arg2[%add3A, %dma_wait3A, %dma_wait3A_104] : memref<32x200x128xi32, #tpu.memory_space<hbm>> -> memref<1x1x128xi32, #tpu.memory_space<hbm>>
    %dma_wait3A_106 = tpu.memref_squeeze %dma_wait3A_105 : memref<1x1x128xi32, #tpu.memory_space<hbm>> -> memref<128xi32, #tpu.memory_space<hbm>>
    %dma_wait3A_107 = arith.constant 0 : i32
    %dma_wait3A_108 = tpu.memref_slice %arg5[%dma_wait3A_100, %dma_wait3A_107] : memref<7x128xi32, #tpu.memory_space<vmem>> -> memref<1x128xi32, #tpu.memory_space<vmem>>
    %dma_wait3A_109 = tpu.memref_squeeze %dma_wait3A_108 : memref<1x128xi32, #tpu.memory_space<vmem>> -> memref<128xi32, #tpu.memory_space<vmem>>
    %dma_wait3A_110 = arith.constant 0 : i32
    %dma_wait3A_111 = tpu.memref_slice %arg2[%add3A, %dma_wait3A, %dma_wait3A_110] : memref<32x200x128xi32, #tpu.memory_space<hbm>> -> memref<1x1x128xi32, #tpu.memory_space<hbm>>
    %dma_wait3A_112 = tpu.memref_squeeze %dma_wait3A_111 : memref<1x1x128xi32, #tpu.memory_space<hbm>> -> memref<128xi32, #tpu.memory_space<hbm>>
    tpu.wait_dma2 semaphore(%arg27 : memref<!tpu.dma_semaphore, #tpu.memory_space<semaphore_mem>>) src(%dma_wait3A_112 : memref<128xi32, #tpu.memory_space<hbm>>) dst(%dma_wait3A_109 : memref<128xi32, #tpu.memory_space<vmem>>)
    %dma_start3A_113 = arith.constant 0 : i32
    %dma_start3A_114 = arith.constant 0 : i32
    %dma_start3A_115 = tpu.memref_slice %arg5[%dma_start3A_113, %dma_start3A_114] : memref<7x128xi32, #tpu.memory_space<vmem>> -> memref<1x128xi32, #tpu.memory_space<vmem>>
    %dma_start3A_116 = tpu.memref_squeeze %dma_start3A_115 : memref<1x128xi32, #tpu.memory_space<vmem>> -> memref<128xi32, #tpu.memory_space<vmem>>
    %dma_start3A_117 = arith.constant 0 : i32
    %dma_start3A_118 = arith.constant 0 : i32
    %dma_start3A_119 = tpu.memref_slice %arg3[%dma_start3A_117, %dma_start3A_118] : memref<100000x128xf32, #tpu.memory_space<hbm>> -> memref<100000x128xf32, #tpu.memory_space<hbm>>
    tpu.enqueue_indirect_dma source(%dma_start3A_119 : memref<100000x128xf32, #tpu.memory_space<hbm>>) target(%arg6 : memref<128x128xf32, #tpu.memory_space<vmem>>) offsets(%dma_start3A_116 : memref<128xi32, #tpu.memory_space<vmem>>) semaphore(%arg13 : memref<!tpu.dma_semaphore, #tpu.memory_space<semaphore_mem>>)
    %dma_wait3A_120 = arith.constant 0 : i32
    %dma_wait3A_121 = arith.constant 1 : i32
    %dma_wait3A_122 = arith.constant 0 : i32
    %dma_wait3A_123 = tpu.memref_slice %arg5[%dma_wait3A_121, %dma_wait3A_122] : memref<7x128xi32, #tpu.memory_space<vmem>> -> memref<1x128xi32, #tpu.memory_space<vmem>>
    %dma_wait3A_124 = tpu.memref_squeeze %dma_wait3A_123 : memref<1x128xi32, #tpu.memory_space<vmem>> -> memref<128xi32, #tpu.memory_space<vmem>>
    %dma_wait3A_125 = arith.constant 0 : i32
    %dma_wait3A_126 = tpu.memref_slice %arg2[%add3A, %dma_wait3A_120, %dma_wait3A_125] : memref<32x200x128xi32, #tpu.memory_space<hbm>> -> memref<1x1x128xi32, #tpu.memory_space<hbm>>
    %dma_wait3A_127 = tpu.memref_squeeze %dma_wait3A_126 : memref<1x1x128xi32, #tpu.memory_space<hbm>> -> memref<128xi32, #tpu.memory_space<hbm>>
    %dma_wait3A_128 = arith.constant 0 : i32
    %dma_wait3A_129 = tpu.memref_slice %arg5[%dma_wait3A_121, %dma_wait3A_128] : memref<7x128xi32, #tpu.memory_space<vmem>> -> memref<1x128xi32, #tpu.memory_space<vmem>>
    %dma_wait3A_130 = tpu.memref_squeeze %dma_wait3A_129 : memref<1x128xi32, #tpu.memory_space<vmem>> -> memref<128xi32, #tpu.memory_space<vmem>>
    %dma_wait3A_131 = arith.constant 0 : i32
    %dma_wait3A_132 = tpu.memref_slice %arg2[%add3A, %dma_wait3A_120, %dma_wait3A_131] : memref<32x200x128xi32, #tpu.memory_space<hbm>> -> memref<1x1x128xi32, #tpu.memory_space<hbm>>
    %dma_wait3A_133 = tpu.memref_squeeze %dma_wait3A_132 : memref<1x1x128xi32, #tpu.memory_space<hbm>> -> memref<128xi32, #tpu.memory_space<hbm>>
    tpu.wait_dma2 semaphore(%arg28 : memref<!tpu.dma_semaphore, #tpu.memory_space<semaphore_mem>>) src(%dma_wait3A_133 : memref<128xi32, #tpu.memory_space<hbm>>) dst(%dma_wait3A_130 : memref<128xi32, #tpu.memory_space<vmem>>)
    %dma_start3A_134 = arith.constant 1 : i32
    %dma_start3A_135 = arith.constant 0 : i32
    %dma_start3A_136 = tpu.memref_slice %arg5[%dma_start3A_134, %dma_start3A_135] : memref<7x128xi32, #tpu.memory_space<vmem>> -> memref<1x128xi32, #tpu.memory_space<vmem>>
    %dma_start3A_137 = tpu.memref_squeeze %dma_start3A_136 : memref<1x128xi32, #tpu.memory_space<vmem>> -> memref<128xi32, #tpu.memory_space<vmem>>
    %dma_start3A_138 = arith.constant 0 : i32
    %dma_start3A_139 = arith.constant 0 : i32
    %dma_start3A_140 = tpu.memref_slice %arg3[%dma_start3A_138, %dma_start3A_139] : memref<100000x128xf32, #tpu.memory_space<hbm>> -> memref<100000x128xf32, #tpu.memory_space<hbm>>
    tpu.enqueue_indirect_dma source(%dma_start3A_140 : memref<100000x128xf32, #tpu.memory_space<hbm>>) target(%arg7 : memref<128x128xf32, #tpu.memory_space<vmem>>) offsets(%dma_start3A_137 : memref<128xi32, #tpu.memory_space<vmem>>) semaphore(%arg14 : memref<!tpu.dma_semaphore, #tpu.memory_space<semaphore_mem>>)
    %dma_wait3A_141 = arith.constant 0 : i32
    %dma_wait3A_142 = arith.constant 2 : i32
    %dma_wait3A_143 = arith.constant 0 : i32
    %dma_wait3A_144 = tpu.memref_slice %arg5[%dma_wait3A_142, %dma_wait3A_143] : memref<7x128xi32, #tpu.memory_space<vmem>> -> memref<1x128xi32, #tpu.memory_space<vmem>>
    %dma_wait3A_145 = tpu.memref_squeeze %dma_wait3A_144 : memref<1x128xi32, #tpu.memory_space<vmem>> -> memref<128xi32, #tpu.memory_space<vmem>>
    %dma_wait3A_146 = arith.constant 0 : i32
    %dma_wait3A_147 = tpu.memref_slice %arg2[%add3A, %dma_wait3A_141, %dma_wait3A_146] : memref<32x200x128xi32, #tpu.memory_space<hbm>> -> memref<1x1x128xi32, #tpu.memory_space<hbm>>
    %dma_wait3A_148 = tpu.memref_squeeze %dma_wait3A_147 : memref<1x1x128xi32, #tpu.memory_space<hbm>> -> memref<128xi32, #tpu.memory_space<hbm>>
    %dma_wait3A_149 = arith.constant 0 : i32
    %dma_wait3A_150 = tpu.memref_slice %arg5[%dma_wait3A_142, %dma_wait3A_149] : memref<7x128xi32, #tpu.memory_space<vmem>> -> memref<1x128xi32, #tpu.memory_space<vmem>>
    %dma_wait3A_151 = tpu.memref_squeeze %dma_wait3A_150 : memref<1x128xi32, #tpu.memory_space<vmem>> -> memref<128xi32, #tpu.memory_space<vmem>>
    %dma_wait3A_152 = arith.constant 0 : i32
    %dma_wait3A_153 = tpu.memref_slice %arg2[%add3A, %dma_wait3A_141, %dma_wait3A_152] : memref<32x200x128xi32, #tpu.memory_space<hbm>> -> memref<1x1x128xi32, #tpu.memory_space<hbm>>
    %dma_wait3A_154 = tpu.memref_squeeze %dma_wait3A_153 : memref<1x1x128xi32, #tpu.memory_space<hbm>> -> memref<128xi32, #tpu.memory_space<hbm>>
    tpu.wait_dma2 semaphore(%arg29 : memref<!tpu.dma_semaphore, #tpu.memory_space<semaphore_mem>>) src(%dma_wait3A_154 : memref<128xi32, #tpu.memory_space<hbm>>) dst(%dma_wait3A_151 : memref<128xi32, #tpu.memory_space<vmem>>)
    %dma_start3A_155 = arith.constant 2 : i32
    %dma_start3A_156 = arith.constant 0 : i32
    %dma_start3A_157 = tpu.memref_slice %arg5[%dma_start3A_155, %dma_start3A_156] : memref<7x128xi32, #tpu.memory_space<vmem>> -> memref<1x128xi32, #tpu.memory_space<vmem>>
    %dma_start3A_158 = tpu.memref_squeeze %dma_start3A_157 : memref<1x128xi32, #tpu.memory_space<vmem>> -> memref<128xi32, #tpu.memory_space<vmem>>
    %dma_start3A_159 = arith.constant 0 : i32
    %dma_start3A_160 = arith.constant 0 : i32
    %dma_start3A_161 = tpu.memref_slice %arg3[%dma_start3A_159, %dma_start3A_160] : memref<100000x128xf32, #tpu.memory_space<hbm>> -> memref<100000x128xf32, #tpu.memory_space<hbm>>
    tpu.enqueue_indirect_dma source(%dma_start3A_161 : memref<100000x128xf32, #tpu.memory_space<hbm>>) target(%arg8 : memref<128x128xf32, #tpu.memory_space<vmem>>) offsets(%dma_start3A_158 : memref<128xi32, #tpu.memory_space<vmem>>) semaphore(%arg15 : memref<!tpu.dma_semaphore, #tpu.memory_space<semaphore_mem>>)
    %dma_wait3A_162 = arith.constant 0 : i32
    %dma_wait3A_163 = arith.constant 3 : i32
    %dma_wait3A_164 = arith.constant 0 : i32
    %dma_wait3A_165 = tpu.memref_slice %arg5[%dma_wait3A_163, %dma_wait3A_164] : memref<7x128xi32, #tpu.memory_space<vmem>> -> memref<1x128xi32, #tpu.memory_space<vmem>>
    %dma_wait3A_166 = tpu.memref_squeeze %dma_wait3A_165 : memref<1x128xi32, #tpu.memory_space<vmem>> -> memref<128xi32, #tpu.memory_space<vmem>>
    %dma_wait3A_167 = arith.constant 0 : i32
    %dma_wait3A_168 = tpu.memref_slice %arg2[%add3A, %dma_wait3A_162, %dma_wait3A_167] : memref<32x200x128xi32, #tpu.memory_space<hbm>> -> memref<1x1x128xi32, #tpu.memory_space<hbm>>
    %dma_wait3A_169 = tpu.memref_squeeze %dma_wait3A_168 : memref<1x1x128xi32, #tpu.memory_space<hbm>> -> memref<128xi32, #tpu.memory_space<hbm>>
    %dma_wait3A_170 = arith.constant 0 : i32
    %dma_wait3A_171 = tpu.memref_slice %arg5[%dma_wait3A_163, %dma_wait3A_170] : memref<7x128xi32, #tpu.memory_space<vmem>> -> memref<1x128xi32, #tpu.memory_space<vmem>>
    %dma_wait3A_172 = tpu.memref_squeeze %dma_wait3A_171 : memref<1x128xi32, #tpu.memory_space<vmem>> -> memref<128xi32, #tpu.memory_space<vmem>>
    %dma_wait3A_173 = arith.constant 0 : i32
    %dma_wait3A_174 = tpu.memref_slice %arg2[%add3A, %dma_wait3A_162, %dma_wait3A_173] : memref<32x200x128xi32, #tpu.memory_space<hbm>> -> memref<1x1x128xi32, #tpu.memory_space<hbm>>
    %dma_wait3A_175 = tpu.memref_squeeze %dma_wait3A_174 : memref<1x1x128xi32, #tpu.memory_space<hbm>> -> memref<128xi32, #tpu.memory_space<hbm>>
    tpu.wait_dma2 semaphore(%arg30 : memref<!tpu.dma_semaphore, #tpu.memory_space<semaphore_mem>>) src(%dma_wait3A_175 : memref<128xi32, #tpu.memory_space<hbm>>) dst(%dma_wait3A_172 : memref<128xi32, #tpu.memory_space<vmem>>)
    %dma_start3A_176 = arith.constant 3 : i32
    %dma_start3A_177 = arith.constant 0 : i32
    %dma_start3A_178 = tpu.memref_slice %arg5[%dma_start3A_176, %dma_start3A_177] : memref<7x128xi32, #tpu.memory_space<vmem>> -> memref<1x128xi32, #tpu.memory_space<vmem>>
    %dma_start3A_179 = tpu.memref_squeeze %dma_start3A_178 : memref<1x128xi32, #tpu.memory_space<vmem>> -> memref<128xi32, #tpu.memory_space<vmem>>
    %dma_start3A_180 = arith.constant 0 : i32
    %dma_start3A_181 = arith.constant 0 : i32
    %dma_start3A_182 = tpu.memref_slice %arg3[%dma_start3A_180, %dma_start3A_181] : memref<100000x128xf32, #tpu.memory_space<hbm>> -> memref<100000x128xf32, #tpu.memory_space<hbm>>
    tpu.enqueue_indirect_dma source(%dma_start3A_182 : memref<100000x128xf32, #tpu.memory_space<hbm>>) target(%arg9 : memref<128x128xf32, #tpu.memory_space<vmem>>) offsets(%dma_start3A_179 : memref<128xi32, #tpu.memory_space<vmem>>) semaphore(%arg16 : memref<!tpu.dma_semaphore, #tpu.memory_space<semaphore_mem>>)
    %dma_wait3A_183 = arith.constant 0 : i32
    %dma_wait3A_184 = arith.constant 4 : i32
    %dma_wait3A_185 = arith.constant 0 : i32
    %dma_wait3A_186 = tpu.memref_slice %arg5[%dma_wait3A_184, %dma_wait3A_185] : memref<7x128xi32, #tpu.memory_space<vmem>> -> memref<1x128xi32, #tpu.memory_space<vmem>>
    %dma_wait3A_187 = tpu.memref_squeeze %dma_wait3A_186 : memref<1x128xi32, #tpu.memory_space<vmem>> -> memref<128xi32, #tpu.memory_space<vmem>>
    %dma_wait3A_188 = arith.constant 0 : i32
    %dma_wait3A_189 = tpu.memref_slice %arg2[%add3A, %dma_wait3A_183, %dma_wait3A_188] : memref<32x200x128xi32, #tpu.memory_space<hbm>> -> memref<1x1x128xi32, #tpu.memory_space<hbm>>
    %dma_wait3A_190 = tpu.memref_squeeze %dma_wait3A_189 : memref<1x1x128xi32, #tpu.memory_space<hbm>> -> memref<128xi32, #tpu.memory_space<hbm>>
    %dma_wait3A_191 = arith.constant 0 : i32
    %dma_wait3A_192 = tpu.memref_slice %arg5[%dma_wait3A_184, %dma_wait3A_191] : memref<7x128xi32, #tpu.memory_space<vmem>> -> memref<1x128xi32, #tpu.memory_space<vmem>>
    %dma_wait3A_193 = tpu.memref_squeeze %dma_wait3A_192 : memref<1x128xi32, #tpu.memory_space<vmem>> -> memref<128xi32, #tpu.memory_space<vmem>>
    %dma_wait3A_194 = arith.constant 0 : i32
    %dma_wait3A_195 = tpu.memref_slice %arg2[%add3A, %dma_wait3A_183, %dma_wait3A_194] : memref<32x200x128xi32, #tpu.memory_space<hbm>> -> memref<1x1x128xi32, #tpu.memory_space<hbm>>
    %dma_wait3A_196 = tpu.memref_squeeze %dma_wait3A_195 : memref<1x1x128xi32, #tpu.memory_space<hbm>> -> memref<128xi32, #tpu.memory_space<hbm>>
    tpu.wait_dma2 semaphore(%arg31 : memref<!tpu.dma_semaphore, #tpu.memory_space<semaphore_mem>>) src(%dma_wait3A_196 : memref<128xi32, #tpu.memory_space<hbm>>) dst(%dma_wait3A_193 : memref<128xi32, #tpu.memory_space<vmem>>)
    %dma_start3A_197 = arith.constant 4 : i32
    %dma_start3A_198 = arith.constant 0 : i32
    %dma_start3A_199 = tpu.memref_slice %arg5[%dma_start3A_197, %dma_start3A_198] : memref<7x128xi32, #tpu.memory_space<vmem>> -> memref<1x128xi32, #tpu.memory_space<vmem>>
    %dma_start3A_200 = tpu.memref_squeeze %dma_start3A_199 : memref<1x128xi32, #tpu.memory_space<vmem>> -> memref<128xi32, #tpu.memory_space<vmem>>
    %dma_start3A_201 = arith.constant 0 : i32
    %dma_start3A_202 = arith.constant 0 : i32
    %dma_start3A_203 = tpu.memref_slice %arg3[%dma_start3A_201, %dma_start3A_202] : memref<100000x128xf32, #tpu.memory_space<hbm>> -> memref<100000x128xf32, #tpu.memory_space<hbm>>
    tpu.enqueue_indirect_dma source(%dma_start3A_203 : memref<100000x128xf32, #tpu.memory_space<hbm>>) target(%arg10 : memref<128x128xf32, #tpu.memory_space<vmem>>) offsets(%dma_start3A_200 : memref<128xi32, #tpu.memory_space<vmem>>) semaphore(%arg17 : memref<!tpu.dma_semaphore, #tpu.memory_space<semaphore_mem>>)
    %dma_wait3A_204 = arith.constant 0 : i32
    %dma_wait3A_205 = arith.constant 5 : i32
    %dma_wait3A_206 = arith.constant 0 : i32
    %dma_wait3A_207 = tpu.memref_slice %arg5[%dma_wait3A_205, %dma_wait3A_206] : memref<7x128xi32, #tpu.memory_space<vmem>> -> memref<1x128xi32, #tpu.memory_space<vmem>>
    %dma_wait3A_208 = tpu.memref_squeeze %dma_wait3A_207 : memref<1x128xi32, #tpu.memory_space<vmem>> -> memref<128xi32, #tpu.memory_space<vmem>>
    %dma_wait3A_209 = arith.constant 0 : i32
    %dma_wait3A_210 = tpu.memref_slice %arg2[%add3A, %dma_wait3A_204, %dma_wait3A_209] : memref<32x200x128xi32, #tpu.memory_space<hbm>> -> memref<1x1x128xi32, #tpu.memory_space<hbm>>
    %dma_wait3A_211 = tpu.memref_squeeze %dma_wait3A_210 : memref<1x1x128xi32, #tpu.memory_space<hbm>> -> memref<128xi32, #tpu.memory_space<hbm>>
    %dma_wait3A_212 = arith.constant 0 : i32
    %dma_wait3A_213 = tpu.memref_slice %arg5[%dma_wait3A_205, %dma_wait3A_212] : memref<7x128xi32, #tpu.memory_space<vmem>> -> memref<1x128xi32, #tpu.memory_space<vmem>>
    %dma_wait3A_214 = tpu.memref_squeeze %dma_wait3A_213 : memref<1x128xi32, #tpu.memory_space<vmem>> -> memref<128xi32, #tpu.memory_space<vmem>>
    %dma_wait3A_215 = arith.constant 0 : i32
    %dma_wait3A_216 = tpu.memref_slice %arg2[%add3A, %dma_wait3A_204, %dma_wait3A_215] : memref<32x200x128xi32, #tpu.memory_space<hbm>> -> memref<1x1x128xi32, #tpu.memory_space<hbm>>
    %dma_wait3A_217 = tpu.memref_squeeze %dma_wait3A_216 : memref<1x1x128xi32, #tpu.memory_space<hbm>> -> memref<128xi32, #tpu.memory_space<hbm>>
    tpu.wait_dma2 semaphore(%arg32 : memref<!tpu.dma_semaphore, #tpu.memory_space<semaphore_mem>>) src(%dma_wait3A_217 : memref<128xi32, #tpu.memory_space<hbm>>) dst(%dma_wait3A_214 : memref<128xi32, #tpu.memory_space<vmem>>)
    %dma_start3A_218 = arith.constant 5 : i32
    %dma_start3A_219 = arith.constant 0 : i32
    %dma_start3A_220 = tpu.memref_slice %arg5[%dma_start3A_218, %dma_start3A_219] : memref<7x128xi32, #tpu.memory_space<vmem>> -> memref<1x128xi32, #tpu.memory_space<vmem>>
    %dma_start3A_221 = tpu.memref_squeeze %dma_start3A_220 : memref<1x128xi32, #tpu.memory_space<vmem>> -> memref<128xi32, #tpu.memory_space<vmem>>
    %dma_start3A_222 = arith.constant 0 : i32
    %dma_start3A_223 = arith.constant 0 : i32
    %dma_start3A_224 = tpu.memref_slice %arg3[%dma_start3A_222, %dma_start3A_223] : memref<100000x128xf32, #tpu.memory_space<hbm>> -> memref<100000x128xf32, #tpu.memory_space<hbm>>
    tpu.enqueue_indirect_dma source(%dma_start3A_224 : memref<100000x128xf32, #tpu.memory_space<hbm>>) target(%arg11 : memref<128x128xf32, #tpu.memory_space<vmem>>) offsets(%dma_start3A_221 : memref<128xi32, #tpu.memory_space<vmem>>) semaphore(%arg18 : memref<!tpu.dma_semaphore, #tpu.memory_space<semaphore_mem>>)
    %scan3A = arith.constant 0 : i32
    %scan3A_225 = arith.constant 0 : i32
    %scan3A_226 = arith.constant 28 : i32
    %scan3A_227 = arith.addi %scan3A_225, %scan3A_226 : i32
    %scan3A_228 = arith.constant 1 : i32
    scf.for %scan3A_302 = %scan3A_225 to %scan3A_227 step %scan3A_228  : i32 {
      %mul3A_303 = arith.constant 7 : i32
      %mul3A_304 = arith.muli %scan3A_302, %mul3A_303 : i32
      %add3A_305 = arith.constant 0 : i32
      %add3A_306 = arith.addi %mul3A_304, %add3A_305 : i32
      %dma_wait3A_307 = arith.constant 0 : i32
      %dma_wait3A_308 = arith.constant 0 : i32
      %dma_wait3A_309 = tpu.memref_slice %arg5[%dma_wait3A_307, %dma_wait3A_308] : memref<7x128xi32, #tpu.memory_space<vmem>> -> memref<1x128xi32, #tpu.memory_space<vmem>>
      %dma_wait3A_310 = tpu.memref_squeeze %dma_wait3A_309 : memref<1x128xi32, #tpu.memory_space<vmem>> -> memref<128xi32, #tpu.memory_space<vmem>>
      %dma_wait3A_311 = arith.constant 0 : i32
      %dma_wait3A_312 = arith.constant 0 : i32
      %dma_wait3A_313 = tpu.memref_slice %arg3[%dma_wait3A_311, %dma_wait3A_312] : memref<100000x128xf32, #tpu.memory_space<hbm>> -> memref<100000x128xf32, #tpu.memory_space<hbm>>
      tpu.wait_indirect_dma semaphore(%arg13 : memref<!tpu.dma_semaphore, #tpu.memory_space<semaphore_mem>>) src(%dma_wait3A_313 : memref<100000x128xf32, #tpu.memory_space<hbm>>) dst(%arg6 : memref<128x128xf32, #tpu.memory_space<vmem>>)
      %add3A_314 = arith.constant 7 : i32
      %add3A_315 = arith.addi %add3A_306, %add3A_314 : i32
      %lt3A = arith.constant 200 : i32
      %lt3A_316 = arith.cmpi slt, %add3A_315, %lt3A : i32
      %convert_element_type3A = arith.extui %lt3A_316 : i1 to i32
      %cond3A = arith.constant 0 : i32
      %cond3A_317 = arith.cmpi ne, %convert_element_type3A, %cond3A : i32
      scf.if %cond3A_317 {
        %add3A_571 = arith.constant 7 : i32
        %add3A_572 = arith.addi %add3A_306, %add3A_571 : i32
        %dma_start3A_573 = arith.constant 0 : i32
        %dma_start3A_574 = arith.constant 0 : i32
        %dma_start3A_575 = tpu.memref_slice %arg5[%dma_start3A_573, %dma_start3A_574] : memref<7x128xi32, #tpu.memory_space<vmem>> -> memref<1x128xi32, #tpu.memory_space<vmem>>
        %dma_start3A_576 = tpu.memref_squeeze %dma_start3A_575 : memref<1x128xi32, #tpu.memory_space<vmem>> -> memref<128xi32, #tpu.memory_space<vmem>>
        %dma_start3A_577 = arith.constant 0 : i32
        %dma_start3A_578 = tpu.memref_slice %arg2[%add3A, %add3A_572, %dma_start3A_577] : memref<32x200x128xi32, #tpu.memory_space<hbm>> -> memref<1x1x128xi32, #tpu.memory_space<hbm>>
        %dma_start3A_579 = tpu.memref_squeeze %dma_start3A_578 : memref<1x1x128xi32, #tpu.memory_space<hbm>> -> memref<128xi32, #tpu.memory_space<hbm>>
        %dma_start3A_580 = arith.constant 0 : i32
        %dma_start3A_581 = tpu.memref_slice %arg5[%dma_start3A_573, %dma_start3A_580] : memref<7x128xi32, #tpu.memory_space<vmem>> -> memref<1x128xi32, #tpu.memory_space<vmem>>
        %dma_start3A_582 = tpu.memref_squeeze %dma_start3A_581 : memref<1x128xi32, #tpu.memory_space<vmem>> -> memref<128xi32, #tpu.memory_space<vmem>>
        %dma_start3A_583 = arith.constant 0 : i32
        %dma_start3A_584 = tpu.memref_slice %arg2[%add3A, %add3A_572, %dma_start3A_583] : memref<32x200x128xi32, #tpu.memory_space<hbm>> -> memref<1x1x128xi32, #tpu.memory_space<hbm>>
        %dma_start3A_585 = tpu.memref_squeeze %dma_start3A_584 : memref<1x1x128xi32, #tpu.memory_space<hbm>> -> memref<128xi32, #tpu.memory_space<hbm>>
        tpu.enqueue_dma source(%dma_start3A_585 : memref<128xi32, #tpu.memory_space<hbm>>) target(%dma_start3A_582 : memref<128xi32, #tpu.memory_space<vmem>>) target_semaphore(%arg27 : memref<!tpu.dma_semaphore, #tpu.memory_space<semaphore_mem>>)
      } else {
      }
      %mul3A_318 = arith.constant 128 : i32
      %mul3A_319 = arith.muli %add3A_306, %mul3A_318 : i32
      %add3A_320 = arith.addi %mul3A_2, %mul3A_319 : i32
      %dma_start3A_321 = arith.constant 0 : i32
      %dma_start3A_322 = tpu.memref_slice %arg4[%add3A_320, %dma_start3A_321] : memref<819200x128xf32, #tpu.memory_space<hbm>> -> memref<128x128xf32, #tpu.memory_space<hbm>>
      %dma_start3A_323 = arith.constant 0 : i32
      %dma_start3A_324 = tpu.memref_slice %arg4[%add3A_320, %dma_start3A_323] : memref<819200x128xf32, #tpu.memory_space<hbm>> -> memref<128x128xf32, #tpu.memory_space<hbm>>
      tpu.enqueue_dma source(%arg6 : memref<128x128xf32, #tpu.memory_space<vmem>>) target(%dma_start3A_324 : memref<128x128xf32, #tpu.memory_space<hbm>>) target_semaphore(%arg20 : memref<!tpu.dma_semaphore, #tpu.memory_space<semaphore_mem>>)
      %gt3A = arith.constant 0 : i32
      %gt3A_325 = arith.cmpi sgt, %add3A_306, %gt3A : i32
      %convert_element_type3A_326 = arith.extui %gt3A_325 : i1 to i32
      %cond3A_327 = arith.constant 0 : i32
      %cond3A_328 = arith.cmpi ne, %convert_element_type3A_326, %cond3A_327 : i32
      scf.if %cond3A_328 {
        %dma_wait3A_571 = arith.constant 0 : i32
        %dma_wait3A_572 = tpu.memref_slice %arg4[%mul3A_2, %dma_wait3A_571] : memref<819200x128xf32, #tpu.memory_space<hbm>> -> memref<128x128xf32, #tpu.memory_space<hbm>>
        %dma_wait3A_573 = arith.constant 0 : i32
        %dma_wait3A_574 = tpu.memref_slice %arg4[%mul3A_2, %dma_wait3A_573] : memref<819200x128xf32, #tpu.memory_space<hbm>> -> memref<128x128xf32, #tpu.memory_space<hbm>>
        tpu.wait_dma2 semaphore(%arg26 : memref<!tpu.dma_semaphore, #tpu.memory_space<semaphore_mem>>) src(%arg12 : memref<128x128xf32, #tpu.memory_space<vmem>>) dst(%dma_wait3A_574 : memref<128x128xf32, #tpu.memory_space<hbm>>)
      } else {
      }
      %add3A_329 = arith.constant 7 : i32
      %add3A_330 = arith.addi %add3A_306, %add3A_329 : i32
      %sub3A = arith.constant 1 : i32
      %sub3A_331 = arith.subi %add3A_330, %sub3A : i32
      %lt3A_332 = arith.constant 200 : i32
      %lt3A_333 = arith.cmpi slt, %sub3A_331, %lt3A_332 : i32
      %convert_element_type3A_334 = arith.extui %lt3A_333 : i1 to i32
      %cond3A_335 = arith.constant 0 : i32
      %cond3A_336 = arith.cmpi ne, %convert_element_type3A_334, %cond3A_335 : i32
      scf.if %cond3A_336 {
        %dma_wait3A_571 = arith.constant 0 : i32
        %dma_wait3A_572 = arith.constant 6 : i32
        %dma_wait3A_573 = arith.constant 0 : i32
        %dma_wait3A_574 = tpu.memref_slice %arg5[%dma_wait3A_572, %dma_wait3A_573] : memref<7x128xi32, #tpu.memory_space<vmem>> -> memref<1x128xi32, #tpu.memory_space<vmem>>
        %dma_wait3A_575 = tpu.memref_squeeze %dma_wait3A_574 : memref<1x128xi32, #tpu.memory_space<vmem>> -> memref<128xi32, #tpu.memory_space<vmem>>
        %dma_wait3A_576 = arith.constant 0 : i32
        %dma_wait3A_577 = tpu.memref_slice %arg2[%add3A, %dma_wait3A_571, %dma_wait3A_576] : memref<32x200x128xi32, #tpu.memory_space<hbm>> -> memref<1x1x128xi32, #tpu.memory_space<hbm>>
        %dma_wait3A_578 = tpu.memref_squeeze %dma_wait3A_577 : memref<1x1x128xi32, #tpu.memory_space<hbm>> -> memref<128xi32, #tpu.memory_space<hbm>>
        %dma_wait3A_579 = arith.constant 0 : i32
        %dma_wait3A_580 = tpu.memref_slice %arg5[%dma_wait3A_572, %dma_wait3A_579] : memref<7x128xi32, #tpu.memory_space<vmem>> -> memref<1x128xi32, #tpu.memory_space<vmem>>
        %dma_wait3A_581 = tpu.memref_squeeze %dma_wait3A_580 : memref<1x128xi32, #tpu.memory_space<vmem>> -> memref<128xi32, #tpu.memory_space<vmem>>
        %dma_wait3A_582 = arith.constant 0 : i32
        %dma_wait3A_583 = tpu.memref_slice %arg2[%add3A, %dma_wait3A_571, %dma_wait3A_582] : memref<32x200x128xi32, #tpu.memory_space<hbm>> -> memref<1x1x128xi32, #tpu.memory_space<hbm>>
        %dma_wait3A_584 = tpu.memref_squeeze %dma_wait3A_583 : memref<1x1x128xi32, #tpu.memory_space<hbm>> -> memref<128xi32, #tpu.memory_space<hbm>>
        tpu.wait_dma2 semaphore(%arg33 : memref<!tpu.dma_semaphore, #tpu.memory_space<semaphore_mem>>) src(%dma_wait3A_584 : memref<128xi32, #tpu.memory_space<hbm>>) dst(%dma_wait3A_581 : memref<128xi32, #tpu.memory_space<vmem>>)
        %add3A_585 = arith.constant 7 : i32
        %add3A_586 = arith.addi %add3A_306, %add3A_585 : i32
        %sub3A_587 = arith.constant 1 : i32
        %sub3A_588 = arith.subi %add3A_586, %sub3A_587 : i32
        %dma_start3A_589 = arith.constant 6 : i32
        %dma_start3A_590 = arith.constant 0 : i32
        %dma_start3A_591 = tpu.memref_slice %arg5[%dma_start3A_589, %dma_start3A_590] : memref<7x128xi32, #tpu.memory_space<vmem>> -> memref<1x128xi32, #tpu.memory_space<vmem>>
        %dma_start3A_592 = tpu.memref_squeeze %dma_start3A_591 : memref<1x128xi32, #tpu.memory_space<vmem>> -> memref<128xi32, #tpu.memory_space<vmem>>
        %dma_start3A_593 = arith.constant 0 : i32
        %dma_start3A_594 = arith.constant 0 : i32
        %dma_start3A_595 = tpu.memref_slice %arg3[%dma_start3A_593, %dma_start3A_594] : memref<100000x128xf32, #tpu.memory_space<hbm>> -> memref<100000x128xf32, #tpu.memory_space<hbm>>
        tpu.enqueue_indirect_dma source(%dma_start3A_595 : memref<100000x128xf32, #tpu.memory_space<hbm>>) target(%arg12 : memref<128x128xf32, #tpu.memory_space<vmem>>) offsets(%dma_start3A_592 : memref<128xi32, #tpu.memory_space<vmem>>) semaphore(%arg19 : memref<!tpu.dma_semaphore, #tpu.memory_space<semaphore_mem>>)
      } else {
      }
      %mul3A_337 = arith.constant 7 : i32
      %mul3A_338 = arith.muli %scan3A_302, %mul3A_337 : i32
      %add3A_339 = arith.constant 1 : i32
      %add3A_340 = arith.addi %mul3A_338, %add3A_339 : i32
      %dma_wait3A_341 = arith.constant 0 : i32
      %dma_wait3A_342 = arith.constant 0 : i32
      %dma_wait3A_343 = tpu.memref_slice %arg5[%dma_wait3A_341, %dma_wait3A_342] : memref<7x128xi32, #tpu.memory_space<vmem>> -> memref<1x128xi32, #tpu.memory_space<vmem>>
      %dma_wait3A_344 = tpu.memref_squeeze %dma_wait3A_343 : memref<1x128xi32, #tpu.memory_space<vmem>> -> memref<128xi32, #tpu.memory_space<vmem>>
      %dma_wait3A_345 = arith.constant 0 : i32
      %dma_wait3A_346 = arith.constant 0 : i32
      %dma_wait3A_347 = tpu.memref_slice %arg3[%dma_wait3A_345, %dma_wait3A_346] : memref<100000x128xf32, #tpu.memory_space<hbm>> -> memref<100000x128xf32, #tpu.memory_space<hbm>>
      tpu.wait_indirect_dma semaphore(%arg14 : memref<!tpu.dma_semaphore, #tpu.memory_space<semaphore_mem>>) src(%dma_wait3A_347 : memref<100000x128xf32, #tpu.memory_space<hbm>>) dst(%arg7 : memref<128x128xf32, #tpu.memory_space<vmem>>)
      %add3A_348 = arith.constant 7 : i32
      %add3A_349 = arith.addi %add3A_340, %add3A_348 : i32
      %lt3A_350 = arith.constant 200 : i32
      %lt3A_351 = arith.cmpi slt, %add3A_349, %lt3A_350 : i32
      %convert_element_type3A_352 = arith.extui %lt3A_351 : i1 to i32
      %cond3A_353 = arith.constant 0 : i32
      %cond3A_354 = arith.cmpi ne, %convert_element_type3A_352, %cond3A_353 : i32
      scf.if %cond3A_354 {
        %add3A_571 = arith.constant 7 : i32
        %add3A_572 = arith.addi %add3A_340, %add3A_571 : i32
        %dma_start3A_573 = arith.constant 1 : i32
        %dma_start3A_574 = arith.constant 0 : i32
        %dma_start3A_575 = tpu.memref_slice %arg5[%dma_start3A_573, %dma_start3A_574] : memref<7x128xi32, #tpu.memory_space<vmem>> -> memref<1x128xi32, #tpu.memory_space<vmem>>
        %dma_start3A_576 = tpu.memref_squeeze %dma_start3A_575 : memref<1x128xi32, #tpu.memory_space<vmem>> -> memref<128xi32, #tpu.memory_space<vmem>>
        %dma_start3A_577 = arith.constant 0 : i32
        %dma_start3A_578 = tpu.memref_slice %arg2[%add3A, %add3A_572, %dma_start3A_577] : memref<32x200x128xi32, #tpu.memory_space<hbm>> -> memref<1x1x128xi32, #tpu.memory_space<hbm>>
        %dma_start3A_579 = tpu.memref_squeeze %dma_start3A_578 : memref<1x1x128xi32, #tpu.memory_space<hbm>> -> memref<128xi32, #tpu.memory_space<hbm>>
        %dma_start3A_580 = arith.constant 0 : i32
        %dma_start3A_581 = tpu.memref_slice %arg5[%dma_start3A_573, %dma_start3A_580] : memref<7x128xi32, #tpu.memory_space<vmem>> -> memref<1x128xi32, #tpu.memory_space<vmem>>
        %dma_start3A_582 = tpu.memref_squeeze %dma_start3A_581 : memref<1x128xi32, #tpu.memory_space<vmem>> -> memref<128xi32, #tpu.memory_space<vmem>>
        %dma_start3A_583 = arith.constant 0 : i32
        %dma_start3A_584 = tpu.memref_slice %arg2[%add3A, %add3A_572, %dma_start3A_583] : memref<32x200x128xi32, #tpu.memory_space<hbm>> -> memref<1x1x128xi32, #tpu.memory_space<hbm>>
        %dma_start3A_585 = tpu.memref_squeeze %dma_start3A_584 : memref<1x1x128xi32, #tpu.memory_space<hbm>> -> memref<128xi32, #tpu.memory_space<hbm>>
        tpu.enqueue_dma source(%dma_start3A_585 : memref<128xi32, #tpu.memory_space<hbm>>) target(%dma_start3A_582 : memref<128xi32, #tpu.memory_space<vmem>>) target_semaphore(%arg28 : memref<!tpu.dma_semaphore, #tpu.memory_space<semaphore_mem>>)
      } else {
      }
      %mul3A_355 = arith.constant 128 : i32
      %mul3A_356 = arith.muli %add3A_340, %mul3A_355 : i32
      %add3A_357 = arith.addi %mul3A_2, %mul3A_356 : i32
      %dma_start3A_358 = arith.constant 0 : i32
      %dma_start3A_359 = tpu.memref_slice %arg4[%add3A_357, %dma_start3A_358] : memref<819200x128xf32, #tpu.memory_space<hbm>> -> memref<128x128xf32, #tpu.memory_space<hbm>>
      %dma_start3A_360 = arith.constant 0 : i32
      %dma_start3A_361 = tpu.memref_slice %arg4[%add3A_357, %dma_start3A_360] : memref<819200x128xf32, #tpu.memory_space<hbm>> -> memref<128x128xf32, #tpu.memory_space<hbm>>
      tpu.enqueue_dma source(%arg7 : memref<128x128xf32, #tpu.memory_space<vmem>>) target(%dma_start3A_361 : memref<128x128xf32, #tpu.memory_space<hbm>>) target_semaphore(%arg21 : memref<!tpu.dma_semaphore, #tpu.memory_space<semaphore_mem>>)
      %gt3A_362 = arith.constant 0 : i32
      %gt3A_363 = arith.cmpi sgt, %add3A_340, %gt3A_362 : i32
      %convert_element_type3A_364 = arith.extui %gt3A_363 : i1 to i32
      %cond3A_365 = arith.constant 0 : i32
      %cond3A_366 = arith.cmpi ne, %convert_element_type3A_364, %cond3A_365 : i32
      scf.if %cond3A_366 {
        %dma_wait3A_571 = arith.constant 0 : i32
        %dma_wait3A_572 = tpu.memref_slice %arg4[%mul3A_2, %dma_wait3A_571] : memref<819200x128xf32, #tpu.memory_space<hbm>> -> memref<128x128xf32, #tpu.memory_space<hbm>>
        %dma_wait3A_573 = arith.constant 0 : i32
        %dma_wait3A_574 = tpu.memref_slice %arg4[%mul3A_2, %dma_wait3A_573] : memref<819200x128xf32, #tpu.memory_space<hbm>> -> memref<128x128xf32, #tpu.memory_space<hbm>>
        tpu.wait_dma2 semaphore(%arg20 : memref<!tpu.dma_semaphore, #tpu.memory_space<semaphore_mem>>) src(%arg6 : memref<128x128xf32, #tpu.memory_space<vmem>>) dst(%dma_wait3A_574 : memref<128x128xf32, #tpu.memory_space<hbm>>)
      } else {
      }
      %add3A_367 = arith.constant 7 : i32
      %add3A_368 = arith.addi %add3A_340, %add3A_367 : i32
      %sub3A_369 = arith.constant 1 : i32
      %sub3A_370 = arith.subi %add3A_368, %sub3A_369 : i32
      %lt3A_371 = arith.constant 200 : i32
      %lt3A_372 = arith.cmpi slt, %sub3A_370, %lt3A_371 : i32
      %convert_element_type3A_373 = arith.extui %lt3A_372 : i1 to i32
      %cond3A_374 = arith.constant 0 : i32
      %cond3A_375 = arith.cmpi ne, %convert_element_type3A_373, %cond3A_374 : i32
      scf.if %cond3A_375 {
        %dma_wait3A_571 = arith.constant 0 : i32
        %dma_wait3A_572 = arith.constant 0 : i32
        %dma_wait3A_573 = arith.constant 0 : i32
        %dma_wait3A_574 = tpu.memref_slice %arg5[%dma_wait3A_572, %dma_wait3A_573] : memref<7x128xi32, #tpu.memory_space<vmem>> -> memref<1x128xi32, #tpu.memory_space<vmem>>
        %dma_wait3A_575 = tpu.memref_squeeze %dma_wait3A_574 : memref<1x128xi32, #tpu.memory_space<vmem>> -> memref<128xi32, #tpu.memory_space<vmem>>
        %dma_wait3A_576 = arith.constant 0 : i32
        %dma_wait3A_577 = tpu.memref_slice %arg2[%add3A, %dma_wait3A_571, %dma_wait3A_576] : memref<32x200x128xi32, #tpu.memory_space<hbm>> -> memref<1x1x128xi32, #tpu.memory_space<hbm>>
        %dma_wait3A_578 = tpu.memref_squeeze %dma_wait3A_577 : memref<1x1x128xi32, #tpu.memory_space<hbm>> -> memref<128xi32, #tpu.memory_space<hbm>>
        %dma_wait3A_579 = arith.constant 0 : i32
        %dma_wait3A_580 = tpu.memref_slice %arg5[%dma_wait3A_572, %dma_wait3A_579] : memref<7x128xi32, #tpu.memory_space<vmem>> -> memref<1x128xi32, #tpu.memory_space<vmem>>
        %dma_wait3A_581 = tpu.memref_squeeze %dma_wait3A_580 : memref<1x128xi32, #tpu.memory_space<vmem>> -> memref<128xi32, #tpu.memory_space<vmem>>
        %dma_wait3A_582 = arith.constant 0 : i32
        %dma_wait3A_583 = tpu.memref_slice %arg2[%add3A, %dma_wait3A_571, %dma_wait3A_582] : memref<32x200x128xi32, #tpu.memory_space<hbm>> -> memref<1x1x128xi32, #tpu.memory_space<hbm>>
        %dma_wait3A_584 = tpu.memref_squeeze %dma_wait3A_583 : memref<1x1x128xi32, #tpu.memory_space<hbm>> -> memref<128xi32, #tpu.memory_space<hbm>>
        tpu.wait_dma2 semaphore(%arg27 : memref<!tpu.dma_semaphore, #tpu.memory_space<semaphore_mem>>) src(%dma_wait3A_584 : memref<128xi32, #tpu.memory_space<hbm>>) dst(%dma_wait3A_581 : memref<128xi32, #tpu.memory_space<vmem>>)
        %add3A_585 = arith.constant 7 : i32
        %add3A_586 = arith.addi %add3A_340, %add3A_585 : i32
        %sub3A_587 = arith.constant 1 : i32
        %sub3A_588 = arith.subi %add3A_586, %sub3A_587 : i32
        %dma_start3A_589 = arith.constant 0 : i32
        %dma_start3A_590 = arith.constant 0 : i32
        %dma_start3A_591 = tpu.memref_slice %arg5[%dma_start3A_589, %dma_start3A_590] : memref<7x128xi32, #tpu.memory_space<vmem>> -> memref<1x128xi32, #tpu.memory_space<vmem>>
        %dma_start3A_592 = tpu.memref_squeeze %dma_start3A_591 : memref<1x128xi32, #tpu.memory_space<vmem>> -> memref<128xi32, #tpu.memory_space<vmem>>
        %dma_start3A_593 = arith.constant 0 : i32
        %dma_start3A_594 = arith.constant 0 : i32
        %dma_start3A_595 = tpu.memref_slice %arg3[%dma_start3A_593, %dma_start3A_594] : memref<100000x128xf32, #tpu.memory_space<hbm>> -> memref<100000x128xf32, #tpu.memory_space<hbm>>
        tpu.enqueue_indirect_dma source(%dma_start3A_595 : memref<100000x128xf32, #tpu.memory_space<hbm>>) target(%arg6 : memref<128x128xf32, #tpu.memory_space<vmem>>) offsets(%dma_start3A_592 : memref<128xi32, #tpu.memory_space<vmem>>) semaphore(%arg13 : memref<!tpu.dma_semaphore, #tpu.memory_space<semaphore_mem>>)
      } else {
      }
      %mul3A_376 = arith.constant 7 : i32
      %mul3A_377 = arith.muli %scan3A_302, %mul3A_376 : i32
      %add3A_378 = arith.constant 2 : i32
      %add3A_379 = arith.addi %mul3A_377, %add3A_378 : i32
      %dma_wait3A_380 = arith.constant 0 : i32
      %dma_wait3A_381 = arith.constant 0 : i32
      %dma_wait3A_382 = tpu.memref_slice %arg5[%dma_wait3A_380, %dma_wait3A_381] : memref<7x128xi32, #tpu.memory_space<vmem>> -> memref<1x128xi32, #tpu.memory_space<vmem>>
      %dma_wait3A_383 = tpu.memref_squeeze %dma_wait3A_382 : memref<1x128xi32, #tpu.memory_space<vmem>> -> memref<128xi32, #tpu.memory_space<vmem>>
      %dma_wait3A_384 = arith.constant 0 : i32
      %dma_wait3A_385 = arith.constant 0 : i32
      %dma_wait3A_386 = tpu.memref_slice %arg3[%dma_wait3A_384, %dma_wait3A_385] : memref<100000x128xf32, #tpu.memory_space<hbm>> -> memref<100000x128xf32, #tpu.memory_space<hbm>>
      tpu.wait_indirect_dma semaphore(%arg15 : memref<!tpu.dma_semaphore, #tpu.memory_space<semaphore_mem>>) src(%dma_wait3A_386 : memref<100000x128xf32, #tpu.memory_space<hbm>>) dst(%arg8 : memref<128x128xf32, #tpu.memory_space<vmem>>)
      %add3A_387 = arith.constant 7 : i32
      %add3A_388 = arith.addi %add3A_379, %add3A_387 : i32
      %lt3A_389 = arith.constant 200 : i32
      %lt3A_390 = arith.cmpi slt, %add3A_388, %lt3A_389 : i32
      %convert_element_type3A_391 = arith.extui %lt3A_390 : i1 to i32
      %cond3A_392 = arith.constant 0 : i32
      %cond3A_393 = arith.cmpi ne, %convert_element_type3A_391, %cond3A_392 : i32
      scf.if %cond3A_393 {
        %add3A_571 = arith.constant 7 : i32
        %add3A_572 = arith.addi %add3A_379, %add3A_571 : i32
        %dma_start3A_573 = arith.constant 2 : i32
        %dma_start3A_574 = arith.constant 0 : i32
        %dma_start3A_575 = tpu.memref_slice %arg5[%dma_start3A_573, %dma_start3A_574] : memref<7x128xi32, #tpu.memory_space<vmem>> -> memref<1x128xi32, #tpu.memory_space<vmem>>
        %dma_start3A_576 = tpu.memref_squeeze %dma_start3A_575 : memref<1x128xi32, #tpu.memory_space<vmem>> -> memref<128xi32, #tpu.memory_space<vmem>>
        %dma_start3A_577 = arith.constant 0 : i32
        %dma_start3A_578 = tpu.memref_slice %arg2[%add3A, %add3A_572, %dma_start3A_577] : memref<32x200x128xi32, #tpu.memory_space<hbm>> -> memref<1x1x128xi32, #tpu.memory_space<hbm>>
        %dma_start3A_579 = tpu.memref_squeeze %dma_start3A_578 : memref<1x1x128xi32, #tpu.memory_space<hbm>> -> memref<128xi32, #tpu.memory_space<hbm>>
        %dma_start3A_580 = arith.constant 0 : i32
        %dma_start3A_581 = tpu.memref_slice %arg5[%dma_start3A_573, %dma_start3A_580] : memref<7x128xi32, #tpu.memory_space<vmem>> -> memref<1x128xi32, #tpu.memory_space<vmem>>
        %dma_start3A_582 = tpu.memref_squeeze %dma_start3A_581 : memref<1x128xi32, #tpu.memory_space<vmem>> -> memref<128xi32, #tpu.memory_space<vmem>>
        %dma_start3A_583 = arith.constant 0 : i32
        %dma_start3A_584 = tpu.memref_slice %arg2[%add3A, %add3A_572, %dma_start3A_583] : memref<32x200x128xi32, #tpu.memory_space<hbm>> -> memref<1x1x128xi32, #tpu.memory_space<hbm>>
        %dma_start3A_585 = tpu.memref_squeeze %dma_start3A_584 : memref<1x1x128xi32, #tpu.memory_space<hbm>> -> memref<128xi32, #tpu.memory_space<hbm>>
        tpu.enqueue_dma source(%dma_start3A_585 : memref<128xi32, #tpu.memory_space<hbm>>) target(%dma_start3A_582 : memref<128xi32, #tpu.memory_space<vmem>>) target_semaphore(%arg29 : memref<!tpu.dma_semaphore, #tpu.memory_space<semaphore_mem>>)
      } else {
      }
      %mul3A_394 = arith.constant 128 : i32
      %mul3A_395 = arith.muli %add3A_379, %mul3A_394 : i32
      %add3A_396 = arith.addi %mul3A_2, %mul3A_395 : i32
      %dma_start3A_397 = arith.constant 0 : i32
      %dma_start3A_398 = tpu.memref_slice %arg4[%add3A_396, %dma_start3A_397] : memref<819200x128xf32, #tpu.memory_space<hbm>> -> memref<128x128xf32, #tpu.memory_space<hbm>>
      %dma_start3A_399 = arith.constant 0 : i32
      %dma_start3A_400 = tpu.memref_slice %arg4[%add3A_396, %dma_start3A_399] : memref<819200x128xf32, #tpu.memory_space<hbm>> -> memref<128x128xf32, #tpu.memory_space<hbm>>
      tpu.enqueue_dma source(%arg8 : memref<128x128xf32, #tpu.memory_space<vmem>>) target(%dma_start3A_400 : memref<128x128xf32, #tpu.memory_space<hbm>>) target_semaphore(%arg22 : memref<!tpu.dma_semaphore, #tpu.memory_space<semaphore_mem>>)
      %gt3A_401 = arith.constant 0 : i32
      %gt3A_402 = arith.cmpi sgt, %add3A_379, %gt3A_401 : i32
      %convert_element_type3A_403 = arith.extui %gt3A_402 : i1 to i32
      %cond3A_404 = arith.constant 0 : i32
      %cond3A_405 = arith.cmpi ne, %convert_element_type3A_403, %cond3A_404 : i32
      scf.if %cond3A_405 {
        %dma_wait3A_571 = arith.constant 0 : i32
        %dma_wait3A_572 = tpu.memref_slice %arg4[%mul3A_2, %dma_wait3A_571] : memref<819200x128xf32, #tpu.memory_space<hbm>> -> memref<128x128xf32, #tpu.memory_space<hbm>>
        %dma_wait3A_573 = arith.constant 0 : i32
        %dma_wait3A_574 = tpu.memref_slice %arg4[%mul3A_2, %dma_wait3A_573] : memref<819200x128xf32, #tpu.memory_space<hbm>> -> memref<128x128xf32, #tpu.memory_space<hbm>>
        tpu.wait_dma2 semaphore(%arg21 : memref<!tpu.dma_semaphore, #tpu.memory_space<semaphore_mem>>) src(%arg7 : memref<128x128xf32, #tpu.memory_space<vmem>>) dst(%dma_wait3A_574 : memref<128x128xf32, #tpu.memory_space<hbm>>)
      } else {
      }
      %add3A_406 = arith.constant 7 : i32
      %add3A_407 = arith.addi %add3A_379, %add3A_406 : i32
      %sub3A_408 = arith.constant 1 : i32
      %sub3A_409 = arith.subi %add3A_407, %sub3A_408 : i32
      %lt3A_410 = arith.constant 200 : i32
      %lt3A_411 = arith.cmpi slt, %sub3A_409, %lt3A_410 : i32
      %convert_element_type3A_412 = arith.extui %lt3A_411 : i1 to i32
      %cond3A_413 = arith.constant 0 : i32
      %cond3A_414 = arith.cmpi ne, %convert_element_type3A_412, %cond3A_413 : i32
      scf.if %cond3A_414 {
        %dma_wait3A_571 = arith.constant 0 : i32
        %dma_wait3A_572 = arith.constant 1 : i32
        %dma_wait3A_573 = arith.constant 0 : i32
        %dma_wait3A_574 = tpu.memref_slice %arg5[%dma_wait3A_572, %dma_wait3A_573] : memref<7x128xi32, #tpu.memory_space<vmem>> -> memref<1x128xi32, #tpu.memory_space<vmem>>
        %dma_wait3A_575 = tpu.memref_squeeze %dma_wait3A_574 : memref<1x128xi32, #tpu.memory_space<vmem>> -> memref<128xi32, #tpu.memory_space<vmem>>
        %dma_wait3A_576 = arith.constant 0 : i32
        %dma_wait3A_577 = tpu.memref_slice %arg2[%add3A, %dma_wait3A_571, %dma_wait3A_576] : memref<32x200x128xi32, #tpu.memory_space<hbm>> -> memref<1x1x128xi32, #tpu.memory_space<hbm>>
        %dma_wait3A_578 = tpu.memref_squeeze %dma_wait3A_577 : memref<1x1x128xi32, #tpu.memory_space<hbm>> -> memref<128xi32, #tpu.memory_space<hbm>>
        %dma_wait3A_579 = arith.constant 0 : i32
        %dma_wait3A_580 = tpu.memref_slice %arg5[%dma_wait3A_572, %dma_wait3A_579] : memref<7x128xi32, #tpu.memory_space<vmem>> -> memref<1x128xi32, #tpu.memory_space<vmem>>
        %dma_wait3A_581 = tpu.memref_squeeze %dma_wait3A_580 : memref<1x128xi32, #tpu.memory_space<vmem>> -> memref<128xi32, #tpu.memory_space<vmem>>
        %dma_wait3A_582 = arith.constant 0 : i32
        %dma_wait3A_583 = tpu.memref_slice %arg2[%add3A, %dma_wait3A_571, %dma_wait3A_582] : memref<32x200x128xi32, #tpu.memory_space<hbm>> -> memref<1x1x128xi32, #tpu.memory_space<hbm>>
        %dma_wait3A_584 = tpu.memref_squeeze %dma_wait3A_583 : memref<1x1x128xi32, #tpu.memory_space<hbm>> -> memref<128xi32, #tpu.memory_space<hbm>>
        tpu.wait_dma2 semaphore(%arg28 : memref<!tpu.dma_semaphore, #tpu.memory_space<semaphore_mem>>) src(%dma_wait3A_584 : memref<128xi32, #tpu.memory_space<hbm>>) dst(%dma_wait3A_581 : memref<128xi32, #tpu.memory_space<vmem>>)
        %add3A_585 = arith.constant 7 : i32
        %add3A_586 = arith.addi %add3A_379, %add3A_585 : i32
        %sub3A_587 = arith.constant 1 : i32
        %sub3A_588 = arith.subi %add3A_586, %sub3A_587 : i32
        %dma_start3A_589 = arith.constant 1 : i32
        %dma_start3A_590 = arith.constant 0 : i32
        %dma_start3A_591 = tpu.memref_slice %arg5[%dma_start3A_589, %dma_start3A_590] : memref<7x128xi32, #tpu.memory_space<vmem>> -> memref<1x128xi32, #tpu.memory_space<vmem>>
        %dma_start3A_592 = tpu.memref_squeeze %dma_start3A_591 : memref<1x128xi32, #tpu.memory_space<vmem>> -> memref<128xi32, #tpu.memory_space<vmem>>
        %dma_start3A_593 = arith.constant 0 : i32
        %dma_start3A_594 = arith.constant 0 : i32
        %dma_start3A_595 = tpu.memref_slice %arg3[%dma_start3A_593, %dma_start3A_594] : memref<100000x128xf32, #tpu.memory_space<hbm>> -> memref<100000x128xf32, #tpu.memory_space<hbm>>
        tpu.enqueue_indirect_dma source(%dma_start3A_595 : memref<100000x128xf32, #tpu.memory_space<hbm>>) target(%arg7 : memref<128x128xf32, #tpu.memory_space<vmem>>) offsets(%dma_start3A_592 : memref<128xi32, #tpu.memory_space<vmem>>) semaphore(%arg14 : memref<!tpu.dma_semaphore, #tpu.memory_space<semaphore_mem>>)
      } else {
      }
      %mul3A_415 = arith.constant 7 : i32
      %mul3A_416 = arith.muli %scan3A_302, %mul3A_415 : i32
      %add3A_417 = arith.constant 3 : i32
      %add3A_418 = arith.addi %mul3A_416, %add3A_417 : i32
      %dma_wait3A_419 = arith.constant 0 : i32
      %dma_wait3A_420 = arith.constant 0 : i32
      %dma_wait3A_421 = tpu.memref_slice %arg5[%dma_wait3A_419, %dma_wait3A_420] : memref<7x128xi32, #tpu.memory_space<vmem>> -> memref<1x128xi32, #tpu.memory_space<vmem>>
      %dma_wait3A_422 = tpu.memref_squeeze %dma_wait3A_421 : memref<1x128xi32, #tpu.memory_space<vmem>> -> memref<128xi32, #tpu.memory_space<vmem>>
      %dma_wait3A_423 = arith.constant 0 : i32
      %dma_wait3A_424 = arith.constant 0 : i32
      %dma_wait3A_425 = tpu.memref_slice %arg3[%dma_wait3A_423, %dma_wait3A_424] : memref<100000x128xf32, #tpu.memory_space<hbm>> -> memref<100000x128xf32, #tpu.memory_space<hbm>>
      tpu.wait_indirect_dma semaphore(%arg16 : memref<!tpu.dma_semaphore, #tpu.memory_space<semaphore_mem>>) src(%dma_wait3A_425 : memref<100000x128xf32, #tpu.memory_space<hbm>>) dst(%arg9 : memref<128x128xf32, #tpu.memory_space<vmem>>)
      %add3A_426 = arith.constant 7 : i32
      %add3A_427 = arith.addi %add3A_418, %add3A_426 : i32
      %lt3A_428 = arith.constant 200 : i32
      %lt3A_429 = arith.cmpi slt, %add3A_427, %lt3A_428 : i32
      %convert_element_type3A_430 = arith.extui %lt3A_429 : i1 to i32
      %cond3A_431 = arith.constant 0 : i32
      %cond3A_432 = arith.cmpi ne, %convert_element_type3A_430, %cond3A_431 : i32
      scf.if %cond3A_432 {
        %add3A_571 = arith.constant 7 : i32
        %add3A_572 = arith.addi %add3A_418, %add3A_571 : i32
        %dma_start3A_573 = arith.constant 3 : i32
        %dma_start3A_574 = arith.constant 0 : i32
        %dma_start3A_575 = tpu.memref_slice %arg5[%dma_start3A_573, %dma_start3A_574] : memref<7x128xi32, #tpu.memory_space<vmem>> -> memref<1x128xi32, #tpu.memory_space<vmem>>
        %dma_start3A_576 = tpu.memref_squeeze %dma_start3A_575 : memref<1x128xi32, #tpu.memory_space<vmem>> -> memref<128xi32, #tpu.memory_space<vmem>>
        %dma_start3A_577 = arith.constant 0 : i32
        %dma_start3A_578 = tpu.memref_slice %arg2[%add3A, %add3A_572, %dma_start3A_577] : memref<32x200x128xi32, #tpu.memory_space<hbm>> -> memref<1x1x128xi32, #tpu.memory_space<hbm>>
        %dma_start3A_579 = tpu.memref_squeeze %dma_start3A_578 : memref<1x1x128xi32, #tpu.memory_space<hbm>> -> memref<128xi32, #tpu.memory_space<hbm>>
        %dma_start3A_580 = arith.constant 0 : i32
        %dma_start3A_581 = tpu.memref_slice %arg5[%dma_start3A_573, %dma_start3A_580] : memref<7x128xi32, #tpu.memory_space<vmem>> -> memref<1x128xi32, #tpu.memory_space<vmem>>
        %dma_start3A_582 = tpu.memref_squeeze %dma_start3A_581 : memref<1x128xi32, #tpu.memory_space<vmem>> -> memref<128xi32, #tpu.memory_space<vmem>>
        %dma_start3A_583 = arith.constant 0 : i32
        %dma_start3A_584 = tpu.memref_slice %arg2[%add3A, %add3A_572, %dma_start3A_583] : memref<32x200x128xi32, #tpu.memory_space<hbm>> -> memref<1x1x128xi32, #tpu.memory_space<hbm>>
        %dma_start3A_585 = tpu.memref_squeeze %dma_start3A_584 : memref<1x1x128xi32, #tpu.memory_space<hbm>> -> memref<128xi32, #tpu.memory_space<hbm>>
        tpu.enqueue_dma source(%dma_start3A_585 : memref<128xi32, #tpu.memory_space<hbm>>) target(%dma_start3A_582 : memref<128xi32, #tpu.memory_space<vmem>>) target_semaphore(%arg30 : memref<!tpu.dma_semaphore, #tpu.memory_space<semaphore_mem>>)
      } else {
      }
      %mul3A_433 = arith.constant 128 : i32
      %mul3A_434 = arith.muli %add3A_418, %mul3A_433 : i32
      %add3A_435 = arith.addi %mul3A_2, %mul3A_434 : i32
      %dma_start3A_436 = arith.constant 0 : i32
      %dma_start3A_437 = tpu.memref_slice %arg4[%add3A_435, %dma_start3A_436] : memref<819200x128xf32, #tpu.memory_space<hbm>> -> memref<128x128xf32, #tpu.memory_space<hbm>>
      %dma_start3A_438 = arith.constant 0 : i32
      %dma_start3A_439 = tpu.memref_slice %arg4[%add3A_435, %dma_start3A_438] : memref<819200x128xf32, #tpu.memory_space<hbm>> -> memref<128x128xf32, #tpu.memory_space<hbm>>
      tpu.enqueue_dma source(%arg9 : memref<128x128xf32, #tpu.memory_space<vmem>>) target(%dma_start3A_439 : memref<128x128xf32, #tpu.memory_space<hbm>>) target_semaphore(%arg23 : memref<!tpu.dma_semaphore, #tpu.memory_space<semaphore_mem>>)
      %gt3A_440 = arith.constant 0 : i32
      %gt3A_441 = arith.cmpi sgt, %add3A_418, %gt3A_440 : i32
      %convert_element_type3A_442 = arith.extui %gt3A_441 : i1 to i32
      %cond3A_443 = arith.constant 0 : i32
      %cond3A_444 = arith.cmpi ne, %convert_element_type3A_442, %cond3A_443 : i32
      scf.if %cond3A_444 {
        %dma_wait3A_571 = arith.constant 0 : i32
        %dma_wait3A_572 = tpu.memref_slice %arg4[%mul3A_2, %dma_wait3A_571] : memref<819200x128xf32, #tpu.memory_space<hbm>> -> memref<128x128xf32, #tpu.memory_space<hbm>>
        %dma_wait3A_573 = arith.constant 0 : i32
        %dma_wait3A_574 = tpu.memref_slice %arg4[%mul3A_2, %dma_wait3A_573] : memref<819200x128xf32, #tpu.memory_space<hbm>> -> memref<128x128xf32, #tpu.memory_space<hbm>>
        tpu.wait_dma2 semaphore(%arg22 : memref<!tpu.dma_semaphore, #tpu.memory_space<semaphore_mem>>) src(%arg8 : memref<128x128xf32, #tpu.memory_space<vmem>>) dst(%dma_wait3A_574 : memref<128x128xf32, #tpu.memory_space<hbm>>)
      } else {
      }
      %add3A_445 = arith.constant 7 : i32
      %add3A_446 = arith.addi %add3A_418, %add3A_445 : i32
      %sub3A_447 = arith.constant 1 : i32
      %sub3A_448 = arith.subi %add3A_446, %sub3A_447 : i32
      %lt3A_449 = arith.constant 200 : i32
      %lt3A_450 = arith.cmpi slt, %sub3A_448, %lt3A_449 : i32
      %convert_element_type3A_451 = arith.extui %lt3A_450 : i1 to i32
      %cond3A_452 = arith.constant 0 : i32
      %cond3A_453 = arith.cmpi ne, %convert_element_type3A_451, %cond3A_452 : i32
      scf.if %cond3A_453 {
        %dma_wait3A_571 = arith.constant 0 : i32
        %dma_wait3A_572 = arith.constant 2 : i32
        %dma_wait3A_573 = arith.constant 0 : i32
        %dma_wait3A_574 = tpu.memref_slice %arg5[%dma_wait3A_572, %dma_wait3A_573] : memref<7x128xi32, #tpu.memory_space<vmem>> -> memref<1x128xi32, #tpu.memory_space<vmem>>
        %dma_wait3A_575 = tpu.memref_squeeze %dma_wait3A_574 : memref<1x128xi32, #tpu.memory_space<vmem>> -> memref<128xi32, #tpu.memory_space<vmem>>
        %dma_wait3A_576 = arith.constant 0 : i32
        %dma_wait3A_577 = tpu.memref_slice %arg2[%add3A, %dma_wait3A_571, %dma_wait3A_576] : memref<32x200x128xi32, #tpu.memory_space<hbm>> -> memref<1x1x128xi32, #tpu.memory_space<hbm>>
        %dma_wait3A_578 = tpu.memref_squeeze %dma_wait3A_577 : memref<1x1x128xi32, #tpu.memory_space<hbm>> -> memref<128xi32, #tpu.memory_space<hbm>>
        %dma_wait3A_579 = arith.constant 0 : i32
        %dma_wait3A_580 = tpu.memref_slice %arg5[%dma_wait3A_572, %dma_wait3A_579] : memref<7x128xi32, #tpu.memory_space<vmem>> -> memref<1x128xi32, #tpu.memory_space<vmem>>
        %dma_wait3A_581 = tpu.memref_squeeze %dma_wait3A_580 : memref<1x128xi32, #tpu.memory_space<vmem>> -> memref<128xi32, #tpu.memory_space<vmem>>
        %dma_wait3A_582 = arith.constant 0 : i32
        %dma_wait3A_583 = tpu.memref_slice %arg2[%add3A, %dma_wait3A_571, %dma_wait3A_582] : memref<32x200x128xi32, #tpu.memory_space<hbm>> -> memref<1x1x128xi32, #tpu.memory_space<hbm>>
        %dma_wait3A_584 = tpu.memref_squeeze %dma_wait3A_583 : memref<1x1x128xi32, #tpu.memory_space<hbm>> -> memref<128xi32, #tpu.memory_space<hbm>>
        tpu.wait_dma2 semaphore(%arg29 : memref<!tpu.dma_semaphore, #tpu.memory_space<semaphore_mem>>) src(%dma_wait3A_584 : memref<128xi32, #tpu.memory_space<hbm>>) dst(%dma_wait3A_581 : memref<128xi32, #tpu.memory_space<vmem>>)
        %add3A_585 = arith.constant 7 : i32
        %add3A_586 = arith.addi %add3A_418, %add3A_585 : i32
        %sub3A_587 = arith.constant 1 : i32
        %sub3A_588 = arith.subi %add3A_586, %sub3A_587 : i32
        %dma_start3A_589 = arith.constant 2 : i32
        %dma_start3A_590 = arith.constant 0 : i32
        %dma_start3A_591 = tpu.memref_slice %arg5[%dma_start3A_589, %dma_start3A_590] : memref<7x128xi32, #tpu.memory_space<vmem>> -> memref<1x128xi32, #tpu.memory_space<vmem>>
        %dma_start3A_592 = tpu.memref_squeeze %dma_start3A_591 : memref<1x128xi32, #tpu.memory_space<vmem>> -> memref<128xi32, #tpu.memory_space<vmem>>
        %dma_start3A_593 = arith.constant 0 : i32
        %dma_start3A_594 = arith.constant 0 : i32
        %dma_start3A_595 = tpu.memref_slice %arg3[%dma_start3A_593, %dma_start3A_594] : memref<100000x128xf32, #tpu.memory_space<hbm>> -> memref<100000x128xf32, #tpu.memory_space<hbm>>
        tpu.enqueue_indirect_dma source(%dma_start3A_595 : memref<100000x128xf32, #tpu.memory_space<hbm>>) target(%arg8 : memref<128x128xf32, #tpu.memory_space<vmem>>) offsets(%dma_start3A_592 : memref<128xi32, #tpu.memory_space<vmem>>) semaphore(%arg15 : memref<!tpu.dma_semaphore, #tpu.memory_space<semaphore_mem>>)
      } else {
      }
      %mul3A_454 = arith.constant 7 : i32
      %mul3A_455 = arith.muli %scan3A_302, %mul3A_454 : i32
      %add3A_456 = arith.constant 4 : i32
      %add3A_457 = arith.addi %mul3A_455, %add3A_456 : i32
      %dma_wait3A_458 = arith.constant 0 : i32
      %dma_wait3A_459 = arith.constant 0 : i32
      %dma_wait3A_460 = tpu.memref_slice %arg5[%dma_wait3A_458, %dma_wait3A_459] : memref<7x128xi32, #tpu.memory_space<vmem>> -> memref<1x128xi32, #tpu.memory_space<vmem>>
      %dma_wait3A_461 = tpu.memref_squeeze %dma_wait3A_460 : memref<1x128xi32, #tpu.memory_space<vmem>> -> memref<128xi32, #tpu.memory_space<vmem>>
      %dma_wait3A_462 = arith.constant 0 : i32
      %dma_wait3A_463 = arith.constant 0 : i32
      %dma_wait3A_464 = tpu.memref_slice %arg3[%dma_wait3A_462, %dma_wait3A_463] : memref<100000x128xf32, #tpu.memory_space<hbm>> -> memref<100000x128xf32, #tpu.memory_space<hbm>>
      tpu.wait_indirect_dma semaphore(%arg17 : memref<!tpu.dma_semaphore, #tpu.memory_space<semaphore_mem>>) src(%dma_wait3A_464 : memref<100000x128xf32, #tpu.memory_space<hbm>>) dst(%arg10 : memref<128x128xf32, #tpu.memory_space<vmem>>)
      %add3A_465 = arith.constant 7 : i32
      %add3A_466 = arith.addi %add3A_457, %add3A_465 : i32
      %lt3A_467 = arith.constant 200 : i32
      %lt3A_468 = arith.cmpi slt, %add3A_466, %lt3A_467 : i32
      %convert_element_type3A_469 = arith.extui %lt3A_468 : i1 to i32
      %cond3A_470 = arith.constant 0 : i32
      %cond3A_471 = arith.cmpi ne, %convert_element_type3A_469, %cond3A_470 : i32
      scf.if %cond3A_471 {
        %add3A_571 = arith.constant 7 : i32
        %add3A_572 = arith.addi %add3A_457, %add3A_571 : i32
        %dma_start3A_573 = arith.constant 4 : i32
        %dma_start3A_574 = arith.constant 0 : i32
        %dma_start3A_575 = tpu.memref_slice %arg5[%dma_start3A_573, %dma_start3A_574] : memref<7x128xi32, #tpu.memory_space<vmem>> -> memref<1x128xi32, #tpu.memory_space<vmem>>
        %dma_start3A_576 = tpu.memref_squeeze %dma_start3A_575 : memref<1x128xi32, #tpu.memory_space<vmem>> -> memref<128xi32, #tpu.memory_space<vmem>>
        %dma_start3A_577 = arith.constant 0 : i32
        %dma_start3A_578 = tpu.memref_slice %arg2[%add3A, %add3A_572, %dma_start3A_577] : memref<32x200x128xi32, #tpu.memory_space<hbm>> -> memref<1x1x128xi32, #tpu.memory_space<hbm>>
        %dma_start3A_579 = tpu.memref_squeeze %dma_start3A_578 : memref<1x1x128xi32, #tpu.memory_space<hbm>> -> memref<128xi32, #tpu.memory_space<hbm>>
        %dma_start3A_580 = arith.constant 0 : i32
        %dma_start3A_581 = tpu.memref_slice %arg5[%dma_start3A_573, %dma_start3A_580] : memref<7x128xi32, #tpu.memory_space<vmem>> -> memref<1x128xi32, #tpu.memory_space<vmem>>
        %dma_start3A_582 = tpu.memref_squeeze %dma_start3A_581 : memref<1x128xi32, #tpu.memory_space<vmem>> -> memref<128xi32, #tpu.memory_space<vmem>>
        %dma_start3A_583 = arith.constant 0 : i32
        %dma_start3A_584 = tpu.memref_slice %arg2[%add3A, %add3A_572, %dma_start3A_583] : memref<32x200x128xi32, #tpu.memory_space<hbm>> -> memref<1x1x128xi32, #tpu.memory_space<hbm>>
        %dma_start3A_585 = tpu.memref_squeeze %dma_start3A_584 : memref<1x1x128xi32, #tpu.memory_space<hbm>> -> memref<128xi32, #tpu.memory_space<hbm>>
        tpu.enqueue_dma source(%dma_start3A_585 : memref<128xi32, #tpu.memory_space<hbm>>) target(%dma_start3A_582 : memref<128xi32, #tpu.memory_space<vmem>>) target_semaphore(%arg31 : memref<!tpu.dma_semaphore, #tpu.memory_space<semaphore_mem>>)
      } else {
      }
      %mul3A_472 = arith.constant 128 : i32
      %mul3A_473 = arith.muli %add3A_457, %mul3A_472 : i32
      %add3A_474 = arith.addi %mul3A_2, %mul3A_473 : i32
      %dma_start3A_475 = arith.constant 0 : i32
      %dma_start3A_476 = tpu.memref_slice %arg4[%add3A_474, %dma_start3A_475] : memref<819200x128xf32, #tpu.memory_space<hbm>> -> memref<128x128xf32, #tpu.memory_space<hbm>>
      %dma_start3A_477 = arith.constant 0 : i32
      %dma_start3A_478 = tpu.memref_slice %arg4[%add3A_474, %dma_start3A_477] : memref<819200x128xf32, #tpu.memory_space<hbm>> -> memref<128x128xf32, #tpu.memory_space<hbm>>
      tpu.enqueue_dma source(%arg10 : memref<128x128xf32, #tpu.memory_space<vmem>>) target(%dma_start3A_478 : memref<128x128xf32, #tpu.memory_space<hbm>>) target_semaphore(%arg24 : memref<!tpu.dma_semaphore, #tpu.memory_space<semaphore_mem>>)
      %gt3A_479 = arith.constant 0 : i32
      %gt3A_480 = arith.cmpi sgt, %add3A_457, %gt3A_479 : i32
      %convert_element_type3A_481 = arith.extui %gt3A_480 : i1 to i32
      %cond3A_482 = arith.constant 0 : i32
      %cond3A_483 = arith.cmpi ne, %convert_element_type3A_481, %cond3A_482 : i32
      scf.if %cond3A_483 {
        %dma_wait3A_571 = arith.constant 0 : i32
        %dma_wait3A_572 = tpu.memref_slice %arg4[%mul3A_2, %dma_wait3A_571] : memref<819200x128xf32, #tpu.memory_space<hbm>> -> memref<128x128xf32, #tpu.memory_space<hbm>>
        %dma_wait3A_573 = arith.constant 0 : i32
        %dma_wait3A_574 = tpu.memref_slice %arg4[%mul3A_2, %dma_wait3A_573] : memref<819200x128xf32, #tpu.memory_space<hbm>> -> memref<128x128xf32, #tpu.memory_space<hbm>>
        tpu.wait_dma2 semaphore(%arg23 : memref<!tpu.dma_semaphore, #tpu.memory_space<semaphore_mem>>) src(%arg9 : memref<128x128xf32, #tpu.memory_space<vmem>>) dst(%dma_wait3A_574 : memref<128x128xf32, #tpu.memory_space<hbm>>)
      } else {
      }
      %add3A_484 = arith.constant 7 : i32
      %add3A_485 = arith.addi %add3A_457, %add3A_484 : i32
      %sub3A_486 = arith.constant 1 : i32
      %sub3A_487 = arith.subi %add3A_485, %sub3A_486 : i32
      %lt3A_488 = arith.constant 200 : i32
      %lt3A_489 = arith.cmpi slt, %sub3A_487, %lt3A_488 : i32
      %convert_element_type3A_490 = arith.extui %lt3A_489 : i1 to i32
      %cond3A_491 = arith.constant 0 : i32
      %cond3A_492 = arith.cmpi ne, %convert_element_type3A_490, %cond3A_491 : i32
      scf.if %cond3A_492 {
        %dma_wait3A_571 = arith.constant 0 : i32
        %dma_wait3A_572 = arith.constant 3 : i32
        %dma_wait3A_573 = arith.constant 0 : i32
        %dma_wait3A_574 = tpu.memref_slice %arg5[%dma_wait3A_572, %dma_wait3A_573] : memref<7x128xi32, #tpu.memory_space<vmem>> -> memref<1x128xi32, #tpu.memory_space<vmem>>
        %dma_wait3A_575 = tpu.memref_squeeze %dma_wait3A_574 : memref<1x128xi32, #tpu.memory_space<vmem>> -> memref<128xi32, #tpu.memory_space<vmem>>
        %dma_wait3A_576 = arith.constant 0 : i32
        %dma_wait3A_577 = tpu.memref_slice %arg2[%add3A, %dma_wait3A_571, %dma_wait3A_576] : memref<32x200x128xi32, #tpu.memory_space<hbm>> -> memref<1x1x128xi32, #tpu.memory_space<hbm>>
        %dma_wait3A_578 = tpu.memref_squeeze %dma_wait3A_577 : memref<1x1x128xi32, #tpu.memory_space<hbm>> -> memref<128xi32, #tpu.memory_space<hbm>>
        %dma_wait3A_579 = arith.constant 0 : i32
        %dma_wait3A_580 = tpu.memref_slice %arg5[%dma_wait3A_572, %dma_wait3A_579] : memref<7x128xi32, #tpu.memory_space<vmem>> -> memref<1x128xi32, #tpu.memory_space<vmem>>
        %dma_wait3A_581 = tpu.memref_squeeze %dma_wait3A_580 : memref<1x128xi32, #tpu.memory_space<vmem>> -> memref<128xi32, #tpu.memory_space<vmem>>
        %dma_wait3A_582 = arith.constant 0 : i32
        %dma_wait3A_583 = tpu.memref_slice %arg2[%add3A, %dma_wait3A_571, %dma_wait3A_582] : memref<32x200x128xi32, #tpu.memory_space<hbm>> -> memref<1x1x128xi32, #tpu.memory_space<hbm>>
        %dma_wait3A_584 = tpu.memref_squeeze %dma_wait3A_583 : memref<1x1x128xi32, #tpu.memory_space<hbm>> -> memref<128xi32, #tpu.memory_space<hbm>>
        tpu.wait_dma2 semaphore(%arg30 : memref<!tpu.dma_semaphore, #tpu.memory_space<semaphore_mem>>) src(%dma_wait3A_584 : memref<128xi32, #tpu.memory_space<hbm>>) dst(%dma_wait3A_581 : memref<128xi32, #tpu.memory_space<vmem>>)
        %add3A_585 = arith.constant 7 : i32
        %add3A_586 = arith.addi %add3A_457, %add3A_585 : i32
        %sub3A_587 = arith.constant 1 : i32
        %sub3A_588 = arith.subi %add3A_586, %sub3A_587 : i32
        %dma_start3A_589 = arith.constant 3 : i32
        %dma_start3A_590 = arith.constant 0 : i32
        %dma_start3A_591 = tpu.memref_slice %arg5[%dma_start3A_589, %dma_start3A_590] : memref<7x128xi32, #tpu.memory_space<vmem>> -> memref<1x128xi32, #tpu.memory_space<vmem>>
        %dma_start3A_592 = tpu.memref_squeeze %dma_start3A_591 : memref<1x128xi32, #tpu.memory_space<vmem>> -> memref<128xi32, #tpu.memory_space<vmem>>
        %dma_start3A_593 = arith.constant 0 : i32
        %dma_start3A_594 = arith.constant 0 : i32
        %dma_start3A_595 = tpu.memref_slice %arg3[%dma_start3A_593, %dma_start3A_594] : memref<100000x128xf32, #tpu.memory_space<hbm>> -> memref<100000x128xf32, #tpu.memory_space<hbm>>
        tpu.enqueue_indirect_dma source(%dma_start3A_595 : memref<100000x128xf32, #tpu.memory_space<hbm>>) target(%arg9 : memref<128x128xf32, #tpu.memory_space<vmem>>) offsets(%dma_start3A_592 : memref<128xi32, #tpu.memory_space<vmem>>) semaphore(%arg16 : memref<!tpu.dma_semaphore, #tpu.memory_space<semaphore_mem>>)
      } else {
      }
      %mul3A_493 = arith.constant 7 : i32
      %mul3A_494 = arith.muli %scan3A_302, %mul3A_493 : i32
      %add3A_495 = arith.constant 5 : i32
      %add3A_496 = arith.addi %mul3A_494, %add3A_495 : i32
      %dma_wait3A_497 = arith.constant 0 : i32
      %dma_wait3A_498 = arith.constant 0 : i32
      %dma_wait3A_499 = tpu.memref_slice %arg5[%dma_wait3A_497, %dma_wait3A_498] : memref<7x128xi32, #tpu.memory_space<vmem>> -> memref<1x128xi32, #tpu.memory_space<vmem>>
      %dma_wait3A_500 = tpu.memref_squeeze %dma_wait3A_499 : memref<1x128xi32, #tpu.memory_space<vmem>> -> memref<128xi32, #tpu.memory_space<vmem>>
      %dma_wait3A_501 = arith.constant 0 : i32
      %dma_wait3A_502 = arith.constant 0 : i32
      %dma_wait3A_503 = tpu.memref_slice %arg3[%dma_wait3A_501, %dma_wait3A_502] : memref<100000x128xf32, #tpu.memory_space<hbm>> -> memref<100000x128xf32, #tpu.memory_space<hbm>>
      tpu.wait_indirect_dma semaphore(%arg18 : memref<!tpu.dma_semaphore, #tpu.memory_space<semaphore_mem>>) src(%dma_wait3A_503 : memref<100000x128xf32, #tpu.memory_space<hbm>>) dst(%arg11 : memref<128x128xf32, #tpu.memory_space<vmem>>)
      %add3A_504 = arith.constant 7 : i32
      %add3A_505 = arith.addi %add3A_496, %add3A_504 : i32
      %lt3A_506 = arith.constant 200 : i32
      %lt3A_507 = arith.cmpi slt, %add3A_505, %lt3A_506 : i32
      %convert_element_type3A_508 = arith.extui %lt3A_507 : i1 to i32
      %cond3A_509 = arith.constant 0 : i32
      %cond3A_510 = arith.cmpi ne, %convert_element_type3A_508, %cond3A_509 : i32
      scf.if %cond3A_510 {
        %add3A_571 = arith.constant 7 : i32
        %add3A_572 = arith.addi %add3A_496, %add3A_571 : i32
        %dma_start3A_573 = arith.constant 5 : i32
        %dma_start3A_574 = arith.constant 0 : i32
        %dma_start3A_575 = tpu.memref_slice %arg5[%dma_start3A_573, %dma_start3A_574] : memref<7x128xi32, #tpu.memory_space<vmem>> -> memref<1x128xi32, #tpu.memory_space<vmem>>
        %dma_start3A_576 = tpu.memref_squeeze %dma_start3A_575 : memref<1x128xi32, #tpu.memory_space<vmem>> -> memref<128xi32, #tpu.memory_space<vmem>>
        %dma_start3A_577 = arith.constant 0 : i32
        %dma_start3A_578 = tpu.memref_slice %arg2[%add3A, %add3A_572, %dma_start3A_577] : memref<32x200x128xi32, #tpu.memory_space<hbm>> -> memref<1x1x128xi32, #tpu.memory_space<hbm>>
        %dma_start3A_579 = tpu.memref_squeeze %dma_start3A_578 : memref<1x1x128xi32, #tpu.memory_space<hbm>> -> memref<128xi32, #tpu.memory_space<hbm>>
        %dma_start3A_580 = arith.constant 0 : i32
        %dma_start3A_581 = tpu.memref_slice %arg5[%dma_start3A_573, %dma_start3A_580] : memref<7x128xi32, #tpu.memory_space<vmem>> -> memref<1x128xi32, #tpu.memory_space<vmem>>
        %dma_start3A_582 = tpu.memref_squeeze %dma_start3A_581 : memref<1x128xi32, #tpu.memory_space<vmem>> -> memref<128xi32, #tpu.memory_space<vmem>>
        %dma_start3A_583 = arith.constant 0 : i32
        %dma_start3A_584 = tpu.memref_slice %arg2[%add3A, %add3A_572, %dma_start3A_583] : memref<32x200x128xi32, #tpu.memory_space<hbm>> -> memref<1x1x128xi32, #tpu.memory_space<hbm>>
        %dma_start3A_585 = tpu.memref_squeeze %dma_start3A_584 : memref<1x1x128xi32, #tpu.memory_space<hbm>> -> memref<128xi32, #tpu.memory_space<hbm>>
        tpu.enqueue_dma source(%dma_start3A_585 : memref<128xi32, #tpu.memory_space<hbm>>) target(%dma_start3A_582 : memref<128xi32, #tpu.memory_space<vmem>>) target_semaphore(%arg32 : memref<!tpu.dma_semaphore, #tpu.memory_space<semaphore_mem>>)
      } else {
      }
      %mul3A_511 = arith.constant 128 : i32
      %mul3A_512 = arith.muli %add3A_496, %mul3A_511 : i32
      %add3A_513 = arith.addi %mul3A_2, %mul3A_512 : i32
      %dma_start3A_514 = arith.constant 0 : i32
      %dma_start3A_515 = tpu.memref_slice %arg4[%add3A_513, %dma_start3A_514] : memref<819200x128xf32, #tpu.memory_space<hbm>> -> memref<128x128xf32, #tpu.memory_space<hbm>>
      %dma_start3A_516 = arith.constant 0 : i32
      %dma_start3A_517 = tpu.memref_slice %arg4[%add3A_513, %dma_start3A_516] : memref<819200x128xf32, #tpu.memory_space<hbm>> -> memref<128x128xf32, #tpu.memory_space<hbm>>
      tpu.enqueue_dma source(%arg11 : memref<128x128xf32, #tpu.memory_space<vmem>>) target(%dma_start3A_517 : memref<128x128xf32, #tpu.memory_space<hbm>>) target_semaphore(%arg25 : memref<!tpu.dma_semaphore, #tpu.memory_space<semaphore_mem>>)
      %gt3A_518 = arith.constant 0 : i32
      %gt3A_519 = arith.cmpi sgt, %add3A_496, %gt3A_518 : i32
      %convert_element_type3A_520 = arith.extui %gt3A_519 : i1 to i32
      %cond3A_521 = arith.constant 0 : i32
      %cond3A_522 = arith.cmpi ne, %convert_element_type3A_520, %cond3A_521 : i32
      scf.if %cond3A_522 {
        %dma_wait3A_571 = arith.constant 0 : i32
        %dma_wait3A_572 = tpu.memref_slice %arg4[%mul3A_2, %dma_wait3A_571] : memref<819200x128xf32, #tpu.memory_space<hbm>> -> memref<128x128xf32, #tpu.memory_space<hbm>>
        %dma_wait3A_573 = arith.constant 0 : i32
        %dma_wait3A_574 = tpu.memref_slice %arg4[%mul3A_2, %dma_wait3A_573] : memref<819200x128xf32, #tpu.memory_space<hbm>> -> memref<128x128xf32, #tpu.memory_space<hbm>>
        tpu.wait_dma2 semaphore(%arg24 : memref<!tpu.dma_semaphore, #tpu.memory_space<semaphore_mem>>) src(%arg10 : memref<128x128xf32, #tpu.memory_space<vmem>>) dst(%dma_wait3A_574 : memref<128x128xf32, #tpu.memory_space<hbm>>)
      } else {
      }
      %add3A_523 = arith.constant 7 : i32
      %add3A_524 = arith.addi %add3A_496, %add3A_523 : i32
      %sub3A_525 = arith.constant 1 : i32
      %sub3A_526 = arith.subi %add3A_524, %sub3A_525 : i32
      %lt3A_527 = arith.constant 200 : i32
      %lt3A_528 = arith.cmpi slt, %sub3A_526, %lt3A_527 : i32
      %convert_element_type3A_529 = arith.extui %lt3A_528 : i1 to i32
      %cond3A_530 = arith.constant 0 : i32
      %cond3A_531 = arith.cmpi ne, %convert_element_type3A_529, %cond3A_530 : i32
      scf.if %cond3A_531 {
        %dma_wait3A_571 = arith.constant 0 : i32
        %dma_wait3A_572 = arith.constant 4 : i32
        %dma_wait3A_573 = arith.constant 0 : i32
        %dma_wait3A_574 = tpu.memref_slice %arg5[%dma_wait3A_572, %dma_wait3A_573] : memref<7x128xi32, #tpu.memory_space<vmem>> -> memref<1x128xi32, #tpu.memory_space<vmem>>
        %dma_wait3A_575 = tpu.memref_squeeze %dma_wait3A_574 : memref<1x128xi32, #tpu.memory_space<vmem>> -> memref<128xi32, #tpu.memory_space<vmem>>
        %dma_wait3A_576 = arith.constant 0 : i32
        %dma_wait3A_577 = tpu.memref_slice %arg2[%add3A, %dma_wait3A_571, %dma_wait3A_576] : memref<32x200x128xi32, #tpu.memory_space<hbm>> -> memref<1x1x128xi32, #tpu.memory_space<hbm>>
        %dma_wait3A_578 = tpu.memref_squeeze %dma_wait3A_577 : memref<1x1x128xi32, #tpu.memory_space<hbm>> -> memref<128xi32, #tpu.memory_space<hbm>>
        %dma_wait3A_579 = arith.constant 0 : i32
        %dma_wait3A_580 = tpu.memref_slice %arg5[%dma_wait3A_572, %dma_wait3A_579] : memref<7x128xi32, #tpu.memory_space<vmem>> -> memref<1x128xi32, #tpu.memory_space<vmem>>
        %dma_wait3A_581 = tpu.memref_squeeze %dma_wait3A_580 : memref<1x128xi32, #tpu.memory_space<vmem>> -> memref<128xi32, #tpu.memory_space<vmem>>
        %dma_wait3A_582 = arith.constant 0 : i32
        %dma_wait3A_583 = tpu.memref_slice %arg2[%add3A, %dma_wait3A_571, %dma_wait3A_582] : memref<32x200x128xi32, #tpu.memory_space<hbm>> -> memref<1x1x128xi32, #tpu.memory_space<hbm>>
        %dma_wait3A_584 = tpu.memref_squeeze %dma_wait3A_583 : memref<1x1x128xi32, #tpu.memory_space<hbm>> -> memref<128xi32, #tpu.memory_space<hbm>>
        tpu.wait_dma2 semaphore(%arg31 : memref<!tpu.dma_semaphore, #tpu.memory_space<semaphore_mem>>) src(%dma_wait3A_584 : memref<128xi32, #tpu.memory_space<hbm>>) dst(%dma_wait3A_581 : memref<128xi32, #tpu.memory_space<vmem>>)
        %add3A_585 = arith.constant 7 : i32
        %add3A_586 = arith.addi %add3A_496, %add3A_585 : i32
        %sub3A_587 = arith.constant 1 : i32
        %sub3A_588 = arith.subi %add3A_586, %sub3A_587 : i32
        %dma_start3A_589 = arith.constant 4 : i32
        %dma_start3A_590 = arith.constant 0 : i32
        %dma_start3A_591 = tpu.memref_slice %arg5[%dma_start3A_589, %dma_start3A_590] : memref<7x128xi32, #tpu.memory_space<vmem>> -> memref<1x128xi32, #tpu.memory_space<vmem>>
        %dma_start3A_592 = tpu.memref_squeeze %dma_start3A_591 : memref<1x128xi32, #tpu.memory_space<vmem>> -> memref<128xi32, #tpu.memory_space<vmem>>
        %dma_start3A_593 = arith.constant 0 : i32
        %dma_start3A_594 = arith.constant 0 : i32
        %dma_start3A_595 = tpu.memref_slice %arg3[%dma_start3A_593, %dma_start3A_594] : memref<100000x128xf32, #tpu.memory_space<hbm>> -> memref<100000x128xf32, #tpu.memory_space<hbm>>
        tpu.enqueue_indirect_dma source(%dma_start3A_595 : memref<100000x128xf32, #tpu.memory_space<hbm>>) target(%arg10 : memref<128x128xf32, #tpu.memory_space<vmem>>) offsets(%dma_start3A_592 : memref<128xi32, #tpu.memory_space<vmem>>) semaphore(%arg17 : memref<!tpu.dma_semaphore, #tpu.memory_space<semaphore_mem>>)
      } else {
      }
      %mul3A_532 = arith.constant 7 : i32
      %mul3A_533 = arith.muli %scan3A_302, %mul3A_532 : i32
      %add3A_534 = arith.constant 6 : i32
      %add3A_535 = arith.addi %mul3A_533, %add3A_534 : i32
      %dma_wait3A_536 = arith.constant 0 : i32
      %dma_wait3A_537 = arith.constant 0 : i32
      %dma_wait3A_538 = tpu.memref_slice %arg5[%dma_wait3A_536, %dma_wait3A_537] : memref<7x128xi32, #tpu.memory_space<vmem>> -> memref<1x128xi32, #tpu.memory_space<vmem>>
      %dma_wait3A_539 = tpu.memref_squeeze %dma_wait3A_538 : memref<1x128xi32, #tpu.memory_space<vmem>> -> memref<128xi32, #tpu.memory_space<vmem>>
      %dma_wait3A_540 = arith.constant 0 : i32
      %dma_wait3A_541 = arith.constant 0 : i32
      %dma_wait3A_542 = tpu.memref_slice %arg3[%dma_wait3A_540, %dma_wait3A_541] : memref<100000x128xf32, #tpu.memory_space<hbm>> -> memref<100000x128xf32, #tpu.memory_space<hbm>>
      tpu.wait_indirect_dma semaphore(%arg19 : memref<!tpu.dma_semaphore, #tpu.memory_space<semaphore_mem>>) src(%dma_wait3A_542 : memref<100000x128xf32, #tpu.memory_space<hbm>>) dst(%arg12 : memref<128x128xf32, #tpu.memory_space<vmem>>)
      %add3A_543 = arith.constant 7 : i32
      %add3A_544 = arith.addi %add3A_535, %add3A_543 : i32
      %lt3A_545 = arith.constant 200 : i32
      %lt3A_546 = arith.cmpi slt, %add3A_544, %lt3A_545 : i32
      %convert_element_type3A_547 = arith.extui %lt3A_546 : i1 to i32
      %cond3A_548 = arith.constant 0 : i32
      %cond3A_549 = arith.cmpi ne, %convert_element_type3A_547, %cond3A_548 : i32
      scf.if %cond3A_549 {
        %add3A_571 = arith.constant 7 : i32
        %add3A_572 = arith.addi %add3A_535, %add3A_571 : i32
        %dma_start3A_573 = arith.constant 6 : i32
        %dma_start3A_574 = arith.constant 0 : i32
        %dma_start3A_575 = tpu.memref_slice %arg5[%dma_start3A_573, %dma_start3A_574] : memref<7x128xi32, #tpu.memory_space<vmem>> -> memref<1x128xi32, #tpu.memory_space<vmem>>
        %dma_start3A_576 = tpu.memref_squeeze %dma_start3A_575 : memref<1x128xi32, #tpu.memory_space<vmem>> -> memref<128xi32, #tpu.memory_space<vmem>>
        %dma_start3A_577 = arith.constant 0 : i32
        %dma_start3A_578 = tpu.memref_slice %arg2[%add3A, %add3A_572, %dma_start3A_577] : memref<32x200x128xi32, #tpu.memory_space<hbm>> -> memref<1x1x128xi32, #tpu.memory_space<hbm>>
        %dma_start3A_579 = tpu.memref_squeeze %dma_start3A_578 : memref<1x1x128xi32, #tpu.memory_space<hbm>> -> memref<128xi32, #tpu.memory_space<hbm>>
        %dma_start3A_580 = arith.constant 0 : i32
        %dma_start3A_581 = tpu.memref_slice %arg5[%dma_start3A_573, %dma_start3A_580] : memref<7x128xi32, #tpu.memory_space<vmem>> -> memref<1x128xi32, #tpu.memory_space<vmem>>
        %dma_start3A_582 = tpu.memref_squeeze %dma_start3A_581 : memref<1x128xi32, #tpu.memory_space<vmem>> -> memref<128xi32, #tpu.memory_space<vmem>>
        %dma_start3A_583 = arith.constant 0 : i32
        %dma_start3A_584 = tpu.memref_slice %arg2[%add3A, %add3A_572, %dma_start3A_583] : memref<32x200x128xi32, #tpu.memory_space<hbm>> -> memref<1x1x128xi32, #tpu.memory_space<hbm>>
        %dma_start3A_585 = tpu.memref_squeeze %dma_start3A_584 : memref<1x1x128xi32, #tpu.memory_space<hbm>> -> memref<128xi32, #tpu.memory_space<hbm>>
        tpu.enqueue_dma source(%dma_start3A_585 : memref<128xi32, #tpu.memory_space<hbm>>) target(%dma_start3A_582 : memref<128xi32, #tpu.memory_space<vmem>>) target_semaphore(%arg33 : memref<!tpu.dma_semaphore, #tpu.memory_space<semaphore_mem>>)
      } else {
      }
      %mul3A_550 = arith.constant 128 : i32
      %mul3A_551 = arith.muli %add3A_535, %mul3A_550 : i32
      %add3A_552 = arith.addi %mul3A_2, %mul3A_551 : i32
      %dma_start3A_553 = arith.constant 0 : i32
      %dma_start3A_554 = tpu.memref_slice %arg4[%add3A_552, %dma_start3A_553] : memref<819200x128xf32, #tpu.memory_space<hbm>> -> memref<128x128xf32, #tpu.memory_space<hbm>>
      %dma_start3A_555 = arith.constant 0 : i32
      %dma_start3A_556 = tpu.memref_slice %arg4[%add3A_552, %dma_start3A_555] : memref<819200x128xf32, #tpu.memory_space<hbm>> -> memref<128x128xf32, #tpu.memory_space<hbm>>
      tpu.enqueue_dma source(%arg12 : memref<128x128xf32, #tpu.memory_space<vmem>>) target(%dma_start3A_556 : memref<128x128xf32, #tpu.memory_space<hbm>>) target_semaphore(%arg26 : memref<!tpu.dma_semaphore, #tpu.memory_space<semaphore_mem>>)
      %gt3A_557 = arith.constant 0 : i32
      %gt3A_558 = arith.cmpi sgt, %add3A_535, %gt3A_557 : i32
      %convert_element_type3A_559 = arith.extui %gt3A_558 : i1 to i32
      %cond3A_560 = arith.constant 0 : i32
      %cond3A_561 = arith.cmpi ne, %convert_element_type3A_559, %cond3A_560 : i32
      scf.if %cond3A_561 {
        %dma_wait3A_571 = arith.constant 0 : i32
        %dma_wait3A_572 = tpu.memref_slice %arg4[%mul3A_2, %dma_wait3A_571] : memref<819200x128xf32, #tpu.memory_space<hbm>> -> memref<128x128xf32, #tpu.memory_space<hbm>>
        %dma_wait3A_573 = arith.constant 0 : i32
        %dma_wait3A_574 = tpu.memref_slice %arg4[%mul3A_2, %dma_wait3A_573] : memref<819200x128xf32, #tpu.memory_space<hbm>> -> memref<128x128xf32, #tpu.memory_space<hbm>>
        tpu.wait_dma2 semaphore(%arg25 : memref<!tpu.dma_semaphore, #tpu.memory_space<semaphore_mem>>) src(%arg11 : memref<128x128xf32, #tpu.memory_space<vmem>>) dst(%dma_wait3A_574 : memref<128x128xf32, #tpu.memory_space<hbm>>)
      } else {
      }
      %add3A_562 = arith.constant 7 : i32
      %add3A_563 = arith.addi %add3A_535, %add3A_562 : i32
      %sub3A_564 = arith.constant 1 : i32
      %sub3A_565 = arith.subi %add3A_563, %sub3A_564 : i32
      %lt3A_566 = arith.constant 200 : i32
      %lt3A_567 = arith.cmpi slt, %sub3A_565, %lt3A_566 : i32
      %convert_element_type3A_568 = arith.extui %lt3A_567 : i1 to i32
      %cond3A_569 = arith.constant 0 : i32
      %cond3A_570 = arith.cmpi ne, %convert_element_type3A_568, %cond3A_569 : i32
      scf.if %cond3A_570 {
        %dma_wait3A_571 = arith.constant 0 : i32
        %dma_wait3A_572 = arith.constant 5 : i32
        %dma_wait3A_573 = arith.constant 0 : i32
        %dma_wait3A_574 = tpu.memref_slice %arg5[%dma_wait3A_572, %dma_wait3A_573] : memref<7x128xi32, #tpu.memory_space<vmem>> -> memref<1x128xi32, #tpu.memory_space<vmem>>
        %dma_wait3A_575 = tpu.memref_squeeze %dma_wait3A_574 : memref<1x128xi32, #tpu.memory_space<vmem>> -> memref<128xi32, #tpu.memory_space<vmem>>
        %dma_wait3A_576 = arith.constant 0 : i32
        %dma_wait3A_577 = tpu.memref_slice %arg2[%add3A, %dma_wait3A_571, %dma_wait3A_576] : memref<32x200x128xi32, #tpu.memory_space<hbm>> -> memref<1x1x128xi32, #tpu.memory_space<hbm>>
        %dma_wait3A_578 = tpu.memref_squeeze %dma_wait3A_577 : memref<1x1x128xi32, #tpu.memory_space<hbm>> -> memref<128xi32, #tpu.memory_space<hbm>>
        %dma_wait3A_579 = arith.constant 0 : i32
        %dma_wait3A_580 = tpu.memref_slice %arg5[%dma_wait3A_572, %dma_wait3A_579] : memref<7x128xi32, #tpu.memory_space<vmem>> -> memref<1x128xi32, #tpu.memory_space<vmem>>
        %dma_wait3A_581 = tpu.memref_squeeze %dma_wait3A_580 : memref<1x128xi32, #tpu.memory_space<vmem>> -> memref<128xi32, #tpu.memory_space<vmem>>
        %dma_wait3A_582 = arith.constant 0 : i32
        %dma_wait3A_583 = tpu.memref_slice %arg2[%add3A, %dma_wait3A_571, %dma_wait3A_582] : memref<32x200x128xi32, #tpu.memory_space<hbm>> -> memref<1x1x128xi32, #tpu.memory_space<hbm>>
        %dma_wait3A_584 = tpu.memref_squeeze %dma_wait3A_583 : memref<1x1x128xi32, #tpu.memory_space<hbm>> -> memref<128xi32, #tpu.memory_space<hbm>>
        tpu.wait_dma2 semaphore(%arg32 : memref<!tpu.dma_semaphore, #tpu.memory_space<semaphore_mem>>) src(%dma_wait3A_584 : memref<128xi32, #tpu.memory_space<hbm>>) dst(%dma_wait3A_581 : memref<128xi32, #tpu.memory_space<vmem>>)
        %add3A_585 = arith.constant 7 : i32
        %add3A_586 = arith.addi %add3A_535, %add3A_585 : i32
        %sub3A_587 = arith.constant 1 : i32
        %sub3A_588 = arith.subi %add3A_586, %sub3A_587 : i32
        %dma_start3A_589 = arith.constant 5 : i32
        %dma_start3A_590 = arith.constant 0 : i32
        %dma_start3A_591 = tpu.memref_slice %arg5[%dma_start3A_589, %dma_start3A_590] : memref<7x128xi32, #tpu.memory_space<vmem>> -> memref<1x128xi32, #tpu.memory_space<vmem>>
        %dma_start3A_592 = tpu.memref_squeeze %dma_start3A_591 : memref<1x128xi32, #tpu.memory_space<vmem>> -> memref<128xi32, #tpu.memory_space<vmem>>
        %dma_start3A_593 = arith.constant 0 : i32
        %dma_start3A_594 = arith.constant 0 : i32
        %dma_start3A_595 = tpu.memref_slice %arg3[%dma_start3A_593, %dma_start3A_594] : memref<100000x128xf32, #tpu.memory_space<hbm>> -> memref<100000x128xf32, #tpu.memory_space<hbm>>
        tpu.enqueue_indirect_dma source(%dma_start3A_595 : memref<100000x128xf32, #tpu.memory_space<hbm>>) target(%arg11 : memref<128x128xf32, #tpu.memory_space<vmem>>) offsets(%dma_start3A_592 : memref<128xi32, #tpu.memory_space<vmem>>) semaphore(%arg18 : memref<!tpu.dma_semaphore, #tpu.memory_space<semaphore_mem>>)
      } else {
      }
    }
    %scan3A_229 = arith.constant 28 : i32
    %dma_wait3A_230 = arith.constant 0 : i32
    %dma_wait3A_231 = arith.constant 0 : i32
    %dma_wait3A_232 = tpu.memref_slice %arg5[%dma_wait3A_230, %dma_wait3A_231] : memref<7x128xi32, #tpu.memory_space<vmem>> -> memref<1x128xi32, #tpu.memory_space<vmem>>
    %dma_wait3A_233 = tpu.memref_squeeze %dma_wait3A_232 : memref<1x128xi32, #tpu.memory_space<vmem>> -> memref<128xi32, #tpu.memory_space<vmem>>
    %dma_wait3A_234 = arith.constant 0 : i32
    %dma_wait3A_235 = arith.constant 0 : i32
    %dma_wait3A_236 = tpu.memref_slice %arg3[%dma_wait3A_234, %dma_wait3A_235] : memref<100000x128xf32, #tpu.memory_space<hbm>> -> memref<100000x128xf32, #tpu.memory_space<hbm>>
    tpu.wait_indirect_dma semaphore(%arg13 : memref<!tpu.dma_semaphore, #tpu.memory_space<semaphore_mem>>) src(%dma_wait3A_236 : memref<100000x128xf32, #tpu.memory_space<hbm>>) dst(%arg6 : memref<128x128xf32, #tpu.memory_space<vmem>>)
    %add3A_237 = arith.constant 25088 : i32
    %add3A_238 = arith.addi %mul3A_2, %add3A_237 : i32
    %dma_start3A_239 = arith.constant 0 : i32
    %dma_start3A_240 = tpu.memref_slice %arg4[%add3A_238, %dma_start3A_239] : memref<819200x128xf32, #tpu.memory_space<hbm>> -> memref<128x128xf32, #tpu.memory_space<hbm>>
    %dma_start3A_241 = arith.constant 0 : i32
    %dma_start3A_242 = tpu.memref_slice %arg4[%add3A_238, %dma_start3A_241] : memref<819200x128xf32, #tpu.memory_space<hbm>> -> memref<128x128xf32, #tpu.memory_space<hbm>>
    tpu.enqueue_dma source(%arg6 : memref<128x128xf32, #tpu.memory_space<vmem>>) target(%dma_start3A_242 : memref<128x128xf32, #tpu.memory_space<hbm>>) target_semaphore(%arg20 : memref<!tpu.dma_semaphore, #tpu.memory_space<semaphore_mem>>)
    %dma_wait3A_243 = arith.constant 0 : i32
    %dma_wait3A_244 = tpu.memref_slice %arg4[%mul3A_2, %dma_wait3A_243] : memref<819200x128xf32, #tpu.memory_space<hbm>> -> memref<128x128xf32, #tpu.memory_space<hbm>>
    %dma_wait3A_245 = arith.constant 0 : i32
    %dma_wait3A_246 = tpu.memref_slice %arg4[%mul3A_2, %dma_wait3A_245] : memref<819200x128xf32, #tpu.memory_space<hbm>> -> memref<128x128xf32, #tpu.memory_space<hbm>>
    tpu.wait_dma2 semaphore(%arg26 : memref<!tpu.dma_semaphore, #tpu.memory_space<semaphore_mem>>) src(%arg12 : memref<128x128xf32, #tpu.memory_space<vmem>>) dst(%dma_wait3A_246 : memref<128x128xf32, #tpu.memory_space<hbm>>)
    %dma_wait3A_247 = arith.constant 0 : i32
    %dma_wait3A_248 = arith.constant 0 : i32
    %dma_wait3A_249 = tpu.memref_slice %arg5[%dma_wait3A_247, %dma_wait3A_248] : memref<7x128xi32, #tpu.memory_space<vmem>> -> memref<1x128xi32, #tpu.memory_space<vmem>>
    %dma_wait3A_250 = tpu.memref_squeeze %dma_wait3A_249 : memref<1x128xi32, #tpu.memory_space<vmem>> -> memref<128xi32, #tpu.memory_space<vmem>>
    %dma_wait3A_251 = arith.constant 0 : i32
    %dma_wait3A_252 = arith.constant 0 : i32
    %dma_wait3A_253 = tpu.memref_slice %arg3[%dma_wait3A_251, %dma_wait3A_252] : memref<100000x128xf32, #tpu.memory_space<hbm>> -> memref<100000x128xf32, #tpu.memory_space<hbm>>
    tpu.wait_indirect_dma semaphore(%arg14 : memref<!tpu.dma_semaphore, #tpu.memory_space<semaphore_mem>>) src(%dma_wait3A_253 : memref<100000x128xf32, #tpu.memory_space<hbm>>) dst(%arg7 : memref<128x128xf32, #tpu.memory_space<vmem>>)
    %add3A_254 = arith.constant 25216 : i32
    %add3A_255 = arith.addi %mul3A_2, %add3A_254 : i32
    %dma_start3A_256 = arith.constant 0 : i32
    %dma_start3A_257 = tpu.memref_slice %arg4[%add3A_255, %dma_start3A_256] : memref<819200x128xf32, #tpu.memory_space<hbm>> -> memref<128x128xf32, #tpu.memory_space<hbm>>
    %dma_start3A_258 = arith.constant 0 : i32
    %dma_start3A_259 = tpu.memref_slice %arg4[%add3A_255, %dma_start3A_258] : memref<819200x128xf32, #tpu.memory_space<hbm>> -> memref<128x128xf32, #tpu.memory_space<hbm>>
    tpu.enqueue_dma source(%arg7 : memref<128x128xf32, #tpu.memory_space<vmem>>) target(%dma_start3A_259 : memref<128x128xf32, #tpu.memory_space<hbm>>) target_semaphore(%arg21 : memref<!tpu.dma_semaphore, #tpu.memory_space<semaphore_mem>>)
    %dma_wait3A_260 = arith.constant 0 : i32
    %dma_wait3A_261 = tpu.memref_slice %arg4[%mul3A_2, %dma_wait3A_260] : memref<819200x128xf32, #tpu.memory_space<hbm>> -> memref<128x128xf32, #tpu.memory_space<hbm>>
    %dma_wait3A_262 = arith.constant 0 : i32
    %dma_wait3A_263 = tpu.memref_slice %arg4[%mul3A_2, %dma_wait3A_262] : memref<819200x128xf32, #tpu.memory_space<hbm>> -> memref<128x128xf32, #tpu.memory_space<hbm>>
    tpu.wait_dma2 semaphore(%arg20 : memref<!tpu.dma_semaphore, #tpu.memory_space<semaphore_mem>>) src(%arg6 : memref<128x128xf32, #tpu.memory_space<vmem>>) dst(%dma_wait3A_263 : memref<128x128xf32, #tpu.memory_space<hbm>>)
    %dma_wait3A_264 = arith.constant 0 : i32
    %dma_wait3A_265 = arith.constant 0 : i32
    %dma_wait3A_266 = tpu.memref_slice %arg5[%dma_wait3A_264, %dma_wait3A_265] : memref<7x128xi32, #tpu.memory_space<vmem>> -> memref<1x128xi32, #tpu.memory_space<vmem>>
    %dma_wait3A_267 = tpu.memref_squeeze %dma_wait3A_266 : memref<1x128xi32, #tpu.memory_space<vmem>> -> memref<128xi32, #tpu.memory_space<vmem>>
    %dma_wait3A_268 = arith.constant 0 : i32
    %dma_wait3A_269 = arith.constant 0 : i32
    %dma_wait3A_270 = tpu.memref_slice %arg3[%dma_wait3A_268, %dma_wait3A_269] : memref<100000x128xf32, #tpu.memory_space<hbm>> -> memref<100000x128xf32, #tpu.memory_space<hbm>>
    tpu.wait_indirect_dma semaphore(%arg15 : memref<!tpu.dma_semaphore, #tpu.memory_space<semaphore_mem>>) src(%dma_wait3A_270 : memref<100000x128xf32, #tpu.memory_space<hbm>>) dst(%arg8 : memref<128x128xf32, #tpu.memory_space<vmem>>)
    %add3A_271 = arith.constant 25344 : i32
    %add3A_272 = arith.addi %mul3A_2, %add3A_271 : i32
    %dma_start3A_273 = arith.constant 0 : i32
    %dma_start3A_274 = tpu.memref_slice %arg4[%add3A_272, %dma_start3A_273] : memref<819200x128xf32, #tpu.memory_space<hbm>> -> memref<128x128xf32, #tpu.memory_space<hbm>>
    %dma_start3A_275 = arith.constant 0 : i32
    %dma_start3A_276 = tpu.memref_slice %arg4[%add3A_272, %dma_start3A_275] : memref<819200x128xf32, #tpu.memory_space<hbm>> -> memref<128x128xf32, #tpu.memory_space<hbm>>
    tpu.enqueue_dma source(%arg8 : memref<128x128xf32, #tpu.memory_space<vmem>>) target(%dma_start3A_276 : memref<128x128xf32, #tpu.memory_space<hbm>>) target_semaphore(%arg22 : memref<!tpu.dma_semaphore, #tpu.memory_space<semaphore_mem>>)
    %dma_wait3A_277 = arith.constant 0 : i32
    %dma_wait3A_278 = tpu.memref_slice %arg4[%mul3A_2, %dma_wait3A_277] : memref<819200x128xf32, #tpu.memory_space<hbm>> -> memref<128x128xf32, #tpu.memory_space<hbm>>
    %dma_wait3A_279 = arith.constant 0 : i32
    %dma_wait3A_280 = tpu.memref_slice %arg4[%mul3A_2, %dma_wait3A_279] : memref<819200x128xf32, #tpu.memory_space<hbm>> -> memref<128x128xf32, #tpu.memory_space<hbm>>
    tpu.wait_dma2 semaphore(%arg21 : memref<!tpu.dma_semaphore, #tpu.memory_space<semaphore_mem>>) src(%arg7 : memref<128x128xf32, #tpu.memory_space<vmem>>) dst(%dma_wait3A_280 : memref<128x128xf32, #tpu.memory_space<hbm>>)
    %dma_wait3A_281 = arith.constant 0 : i32
    %dma_wait3A_282 = arith.constant 0 : i32
    %dma_wait3A_283 = tpu.memref_slice %arg5[%dma_wait3A_281, %dma_wait3A_282] : memref<7x128xi32, #tpu.memory_space<vmem>> -> memref<1x128xi32, #tpu.memory_space<vmem>>
    %dma_wait3A_284 = tpu.memref_squeeze %dma_wait3A_283 : memref<1x128xi32, #tpu.memory_space<vmem>> -> memref<128xi32, #tpu.memory_space<vmem>>
    %dma_wait3A_285 = arith.constant 0 : i32
    %dma_wait3A_286 = arith.constant 0 : i32
    %dma_wait3A_287 = tpu.memref_slice %arg3[%dma_wait3A_285, %dma_wait3A_286] : memref<100000x128xf32, #tpu.memory_space<hbm>> -> memref<100000x128xf32, #tpu.memory_space<hbm>>
    tpu.wait_indirect_dma semaphore(%arg16 : memref<!tpu.dma_semaphore, #tpu.memory_space<semaphore_mem>>) src(%dma_wait3A_287 : memref<100000x128xf32, #tpu.memory_space<hbm>>) dst(%arg9 : memref<128x128xf32, #tpu.memory_space<vmem>>)
    %add3A_288 = arith.constant 25472 : i32
    %add3A_289 = arith.addi %mul3A_2, %add3A_288 : i32
    %dma_start3A_290 = arith.constant 0 : i32
    %dma_start3A_291 = tpu.memref_slice %arg4[%add3A_289, %dma_start3A_290] : memref<819200x128xf32, #tpu.memory_space<hbm>> -> memref<128x128xf32, #tpu.memory_space<hbm>>
    %dma_start3A_292 = arith.constant 0 : i32
    %dma_start3A_293 = tpu.memref_slice %arg4[%add3A_289, %dma_start3A_292] : memref<819200x128xf32, #tpu.memory_space<hbm>> -> memref<128x128xf32, #tpu.memory_space<hbm>>
    tpu.enqueue_dma source(%arg9 : memref<128x128xf32, #tpu.memory_space<vmem>>) target(%dma_start3A_293 : memref<128x128xf32, #tpu.memory_space<hbm>>) target_semaphore(%arg23 : memref<!tpu.dma_semaphore, #tpu.memory_space<semaphore_mem>>)
    %dma_wait3A_294 = arith.constant 0 : i32
    %dma_wait3A_295 = tpu.memref_slice %arg4[%mul3A_2, %dma_wait3A_294] : memref<819200x128xf32, #tpu.memory_space<hbm>> -> memref<128x128xf32, #tpu.memory_space<hbm>>
    %dma_wait3A_296 = arith.constant 0 : i32
    %dma_wait3A_297 = tpu.memref_slice %arg4[%mul3A_2, %dma_wait3A_296] : memref<819200x128xf32, #tpu.memory_space<hbm>> -> memref<128x128xf32, #tpu.memory_space<hbm>>
    tpu.wait_dma2 semaphore(%arg22 : memref<!tpu.dma_semaphore, #tpu.memory_space<semaphore_mem>>) src(%arg8 : memref<128x128xf32, #tpu.memory_space<vmem>>) dst(%dma_wait3A_297 : memref<128x128xf32, #tpu.memory_space<hbm>>)
    %dma_wait3A_298 = arith.constant 0 : i32
    %dma_wait3A_299 = tpu.memref_slice %arg4[%mul3A_2, %dma_wait3A_298] : memref<819200x128xf32, #tpu.memory_space<hbm>> -> memref<128x128xf32, #tpu.memory_space<hbm>>
    %dma_wait3A_300 = arith.constant 0 : i32
    %dma_wait3A_301 = tpu.memref_slice %arg4[%mul3A_2, %dma_wait3A_300] : memref<819200x128xf32, #tpu.memory_space<hbm>> -> memref<128x128xf32, #tpu.memory_space<hbm>>
    tpu.wait_dma2 semaphore(%arg23 : memref<!tpu.dma_semaphore, #tpu.memory_space<semaphore_mem>>) src(%arg9 : memref<128x128xf32, #tpu.memory_space<vmem>>) dst(%dma_wait3A_301 : memref<128x128xf32, #tpu.memory_space<hbm>>)
    return
  }
}

</mosaic_0001>

<sc_bundles>
// kernel: kernel.3.cloned.1.call-start
scs
__scs_entry_jumppad:
0x0: {  	(pc) =	sbr.rel $0x88, $3  }
0x1: {  	(tag) =	ssettag $0x0;
	lr =	simm.s32 $0x1  }
0x2: {  	[smem:$0x3F9F] =	sst lr;
	_ =	strace $0xD0000000  }
0x3: {  	_ = 	snop  }
0x4: {  	_ = 	snop  }
0x5: {  	_ = 	snop  }
0x6: {  	_ = 	snop  }
0x7: {  	_ = 	snop  }
__scs_overlays_trampoline_lowered:
0x8: {  	[smem:$0x3FAE] =	sst s0  }
0x9: {  	[smem:$0x3FAF] =	sst s1  }
0xa: {  	[smem:$0x3FB0] =	sst s2  }
0xb: {  	[smem:$0x3FB1] =	sst s3  }
0xc: {  	[smem:$0x3FB2] =	sst s4  }
0xd: {  	[smem:$0x3FB3] =	sst s5  }
0xe: {  	[smem:$0x3FB4] =	sst s6  }
0xf: {  	[smem:$0x3FB5] =	sst s7  }
0x10: {  	[smem:$0x3FB6] =	sst s8  }
0x11: {  	[smem:$0x3FB7] =	sst s9;
	s0 =	simm.s32 @!p0 $0x0  }
0x12: {  	s1 =	sld [smem:$0x3F9D];
	s0 =	simm.s32 @p0 $0x1  }
0x13: {  	[smem:$0x3FB8] =	sst s0;
	s0 =	simm.s32 @!p1 $0x0  }
0x14: {  	s2 =	sld [smem:$0x3F9C];
	s0 =	simm.s32 @p1 $0x1  }
0x15: {  	[smem:$0x3FB9] =	sst s0;
	s0 =	simm.s32 @!p2 $0x0  }
0x16: {  	s3 =	sld [smem:$0x3FDB];
	s0 =	simm.s32 @p2 $0x1  }
0x17: {  	s4 =	simm.s32 $0x1BF5;
	[smem:$0x3FBB] =	sst s0  }
0x18: {  	s0 =	sld [smem:$0x3F9E];
	_ =	swait.ge [sflag:s4], $0x0  }
0x19: {  	s7 =	sld [smem:$0x3F9F]  }
0x1a: {  	s8 =	sadd.s32 $0xFFFFE003, lr  }
0x1b: {  	s9 =	sadd.s32 $0xFFFFFEF7, lr;
	s5 =	simm.s32 $0xFFFFFFFF;
	p2 =	slt.u32 s8, $0xFFFFF086  }
0x1c: {  	p1 =	slt.u32 s9, $0xF7A;
	s5 =	simm.s32 @!p2 $0x0  }
0x1d: {  	s5 =	simm.s32 @p1 $0x1;
	p0 =	seq.s32 s7, s2  }
0x1e: {  	s7 =	smul.u32 @!p0 $0xF7A, s2;
	p2 =	seq.s32 @!p0 s5, $0x0  }
0x1f: {  	s9 =	smul.u32 $0xF7A, s1;
	s8 =	simm.s32 @!p0 $0x1BF5;
	p2 =	por !p2, p0  }
0x20: {  	[sflag:s8] =	ssyncset.s32 @!p0 $0xFFFFF086;
	s6 =	sadd.s32 @!p0 s3, s7;
	s7 =	simm.s32 @!p0 $0x108  }
0x21: {  	s3 =	sadd.s32 s3, s9;
	s6 =	sadd.s32 @!p0 $0x88, s6;
	s7 =	simm.s32 @p2 $0x1082  }
0x22: {  	[simem:s7], [sflag:s8] =	dma.local @!p0 [hbm:s6], $0xF7A  }
0x23: {  	s9 =	sor.u32 $0xD0000000, s2;
	s6 =	simm.s32 $0x108;
	_ =	swait.ge @!p0 [sflag:s8], $0x0  }
0x24: {  	s3 =	sadd.s32 $0x88, s3;
	s6 =	simm.s32 @!p1 $0x1082;
	[sflag:s4] =	ssyncset.s32 $0xFFFFF086  }
0x25: {  	[simem:s6], [sflag:s4] =	dma.local [hbm:s3], $0xF7A  }
0x26: {  	[smem:$0x3F9F] =	sst s1;
	(tag) =	ssettag s2;
	_ =	strace s9  }
0x27: {  	s1 =	sld [smem:$0x3FAF]  }
0x28: {  	s2 =	sld [smem:$0x3FB0]  }
0x29: {  	s4 =	sld [smem:$0x3FB2]  }
0x2a: {  	p0 =	seq.s32 s5, $0x0;
	s5 =	sld [smem:$0x3FB3]  }
0x2b: {  	s6 =	sld [smem:$0x3FB4]  }
0x2c: {  	s7 =	sld [smem:$0x3FB5]  }
0x2d: {  	s3 =	simm.s32 $0x108;
	s8 =	sld [smem:$0x3FB6]  }
0x2e: {  	s3 =	simm.s32 @!p0 $0x1082;
	s9 =	sld [smem:$0x3FB7]  }
0x2f: {  	lr =	sadd.s32 s0, s3;
	s0 =	sld [smem:$0x3FAE]  }
0x30: {  	s3 =	sld [smem:$0x3FB1]  }
0x31: {  	[smem:$0x3FBA] =	sst s10  }
0x32: {  	s10 =	sld [smem:$0x3FB8];
	_ =	sdelay $0x3  }
0x33: {  	p0 =	seq.s32 s10, $0x1;
	s10 =	sld [smem:$0x3FBA];
	_ =	sdelay $0x3  }
0x34: {  	[smem:$0x3FBA] =	sst s10  }
0x35: {  	s10 =	sld [smem:$0x3FB9];
	_ =	sdelay $0x3  }
0x36: {  	p1 =	seq.s32 s10, $0x1;
	s10 =	sld [smem:$0x3FBA];
	_ =	sdelay $0x3  }
0x37: {  	[smem:$0x3FBA] =	sst s10  }
0x38: {  	s10 =	sld [smem:$0x3FBB]  }
0x39: {  	_ = 	snop;
	(pc) =	sbr.ind lr, $3  }
0x3a: {  	_ = 	snop  }
0x3b: {  	_ = 	snop  }
0x3c: {  	p2 =	seq.s32 s10, $0x1;
	s10 =	sld [smem:$0x3FBA]  }
0x3d: {  	_ =	shalt  }
0x3e: {  	_ =	shalt  }
0x3f: {  	_ =	shalt  }
0x40: {  	_ =	shalt  }
0x41: {  	_ =	shalt  }
0x42: {  	_ =	shalt  }
0x43: {  	_ =	shalt  }
0x44: {  	_ =	shalt  }
0x45: {  	_ =	shalt  }
0x46: {  	_ =	shalt  }
0x47: {  	_ =	shalt  }
0x48: {  	_ =	shalt  }
0x49: {  	_ =	shalt  }
0x4a: {  	_ =	shalt  }
0x4b: {  	_ =	shalt  }
0x4c: {  	_ =	shalt  }
0x4d: {  	_ =	shalt  }
0x4e: {  	_ =	shalt  }
0x4f: {  	_ =	shalt  }
0x50: {  	_ =	shalt  }
0x51: {  	_ =	shalt  }
0x52: {  	_ =	shalt  }
0x53: {  	_ =	shalt  }
0x54: {  	_ =	shalt  }
0x55: {  	_ =	shalt  }
0x56: {  	_ =	shalt  }
0x57: {  	_ =	shalt  }
0x58: {  	_ =	shalt  }
0x59: {  	_ =	shalt  }
0x5a: {  	_ =	shalt  }
0x5b: {  	_ =	shalt  }
0x5c: {  	_ =	shalt  }
0x5d: {  	_ =	shalt  }
0x5e: {  	_ =	shalt  }
0x5f: {  	_ =	shalt  }
0x60: {  	_ =	shalt  }
0x61: {  	_ =	shalt  }
0x62: {  	_ =	shalt  }
0x63: {  	_ =	shalt  }
0x64: {  	_ =	shalt  }
0x65: {  	_ =	shalt  }
0x66: {  	_ =	shalt  }
0x67: {  	_ =	shalt  }
0x68: {  	_ =	shalt  }
0x69: {  	_ =	shalt  }
0x6a: {  	_ =	shalt  }
0x6b: {  	_ =	shalt  }
0x6c: {  	_ =	shalt  }
0x6d: {  	_ =	shalt  }
0x6e: {  	_ =	shalt  }
0x6f: {  	_ =	shalt  }
0x70: {  	_ =	shalt  }
0x71: {  	_ =	shalt  }
0x72: {  	_ =	shalt  }
0x73: {  	_ =	shalt  }
0x74: {  	_ =	shalt  }
0x75: {  	_ =	shalt  }
0x76: {  	_ =	shalt  }
0x77: {  	_ =	shalt  }
0x78: {  	_ =	shalt  }
0x79: {  	_ =	shalt  }
0x7a: {  	_ =	shalt  }
0x7b: {  	_ =	shalt  }
0x7c: {  	_ =	shalt  }
0x7d: {  	_ =	shalt  }
0x7e: {  	_ =	shalt  }
0x7f: {  	_ =	shalt  }
0x80: {  	_ =	shalt  }
0x81: {  	_ =	shalt  }
0x82: {  	_ =	shalt  }
0x83: {  	_ =	shalt  }
0x84: {  	_ =	shalt  }
0x85: {  	_ =	shalt  }
0x86: {  	_ =	shalt  }
0x87: {  	_ =	shalt  }
.Lfunc_end0:
.L_simem_size_0:
called_computation_lowered:
.L_overlay_start_0:
0x88: {  	s2 =	sld [smem:$0x3FD9]  }
0x89: {  	s3 =	sld [smem:$0x3FFE];
	_ =	sdelay $0x1  }
0x8a: {  	s1 =	srdreg.scid  }
0x8b: {  	s0 =	sand.u32 $0x1, s1  }
0x8c: {  	s17 =	sshll.u32 s0, $0xA;
	s2 =	sadd.s32 s3, s2  }
0x8d: {  	s2 =	sadd.s32 s2, s17  }
0x8e: {  	[smem:$0x3FC6] =	sst s2  }
0x8f: {  	_ = 	snop  }
0x90: {  	s2 =	sld [smem:$0x3FC8]  }
0x91: {  	s18 =	sld [smem:$0x3FD0];
	(tm) =	ssettm $0x1  }
0x92: {  	s4 =	sld [smem:$0x3FFB];
	_ =	sdelay $0x3  }
0x93: {  	_ =	strace s4  }
0x94: {  	s4 =	sld [smem:$0x3FFC];
	_ =	sdelay $0x3  }
0x95: {  	_ =	strace s4  }
0x96: {  	s4 =	sld [smem:$0x3FFD];
	_ =	sdelay $0x3  }
0x97: {  	_ =	strace s4  }
0x98: {  	_ =	strace $0x8FFFFFFF  }
0x99: {  	s19 =	sld [smem:$0x3FDB];
	_ =	sdelay $0x1  }
0x9a: {  	s5 =	simm.s32 $_scs_section_size  }
0x9b: {  	s6 =	simm.s32 $_size__tile_overlayer_lowered;
	s7 =	simm.s32 $_tile_overlayer_lowered  }
0x9c: {  	s22 =	simm.s32 $0x1BFF;
	s21 =	sshll.u32 s7, $0x1;
	s4 =	sadd.s32 s5, s19  }
0x9d: {  	s8 =	simm.s32 $0x0;
	s20 =	sshll.u32 s6, $0x1;
	s6 =	sadd.s32 s21, s4  }
0x9e: {  	[timem:s8], [sflag:s22] =	dma.local [hbm:s6], s20  }
0x9f: {  	_ =	swait.ge [sflag:s22], s20  }
0xa0: {  	s5 =	ssub.s32 $0x0, s20;
	[sflag:s22] =	ssyncset.done $0x0  }
0xa1: {  	[sflag:s22] =	ssyncadd.s32 s5;
	_ =	sdelay $0x1  }
0xa2: {  	s23 =	simm.s32 $0x1B8B  }
0xa3: {  	_ =	swait.ge [sflag:s23], $0x1  }
0xa4: {  	[sflag:s23] =	ssyncset.done $0x0  }
0xa5: {  	s25 =	simm.s32 $0x1B8E;
	s24 =	sld [smem:$0x3FFE];
	[sflag:s23] =	ssyncadd.s32 $0xFFFFFFFF  }
0xa6: {  	s26 =	simm.s32 $execute0_lowered;
	[smem:$0x3FD2] =	sst s25  }
0xa7: {  	s6 =	sshll.u32 s26, $0x1;
	_ =	strace $0x80000046;
	[dreg:$0x1] =	wrdreg $0xFFFFFFFF  }
0xa8: {  	s28 =	simm.s32 $_size_execute0_lowered;
	s4 =	sadd.s32 s4, s6;
	[dreg:$0x0] =	wrdreg $0x0  }
0xa9: {  	s6 =	sshll.u32 s28, $0x1;
	[dreg:$0x2] =	wrdreg s4  }
0xaa: {  	[dreg:$0x3] =	wrdreg s6  }
0xab: {  	[dreg:$0x4] =	wrdreg $0xC0  }
0xac: {  	_ =	task [dreg:s8], $0x5FFFF  }
0xad: {  	[dreg:$0x1] =	wrdreg $0xFFFFFFFF  }
0xae: {  	[dreg:$0x0] =	wrdreg $0x60  }
0xaf: {  	[dreg:$0x2] =	wrdreg s24  }
0xb0: {  	[dreg:$0x3] =	wrdreg s2  }
0xb1: {  	[dreg:$0x4] =	wrdreg s18  }
0xb2: {  	[dreg:$0x5] =	wrdreg $0x9  }
0xb3: {  	_ =	task.clear_ibuf [dreg:s8], $0x6FFFF;
	_ =	strace $0x90000046  }
0xb4: {  	s29 =	simm.s32 $0x9;
	_ =	strace $0x80000048  }
0xb5: {  	_ =	swait.ge [sflag:s29], $0x1  }
0xb6: {  	[sflag:s29] =	ssyncadd.s32 $0xFFFFFFFF  }
0xb7: {  	_ =	strace $0x90000048  }
0xb8: {  	_ =	sfence  }
0xb9: {  	s30 =	sld [smem:$0x0];
	_ =	sdelay $0x2  }
0xba: {  	s31 =	sshll.u32 s1, $0xD;
	s1 =	sshrl.u32 s1, $0x2  }
0xbb: {  	s3 =	sand.u32 $0x4000, s31;
	s1 =	sadd.s32 s1, s30  }
0xbc: {  	s0 =	sor.u32 s3, s0;
	s1 =	sshll.u32 s1, $0x11  }
0xbd: {  	s0 =	sor.u32 s1, s0  }
0xbe: {  	s0 =	sadd.s32 $0x8F2B, s0  }
0xbf: {  	[sflag:s0] =	ssyncadd.remote.s32 $0x1  }
0xc0: {  	_ =	sfence.sel $0xFFFF  }
0xc1: {  	[dreg:$0x0] =	wrdreg $0xFFFFFFFF;
	(pc) =	sbr.abs _section_cstart, $3  }
0xc2: {  	[dreg:$0x1] =	wrdreg $0xFFFFFFFF  }
0xc3: {  	_ =	task.clear_ibuf [dreg:s8], $0x2FFFF;
	_ =	strace $0x9FFFFFFF  }
0xc4: {  	(tm) =	ssettm $0x7FFFFFFF  }
0xc5: {  	_ =	shalt  }
tec
execute0_lowered:
.L_overlay_start_1:
0x0: {  	(tag) =	ssettag $0x1  }
0x1: {  	s0 =	rddreg [dreg:$0x0]  }
0x2: {  	s2 =	rddreg [dreg:$0x1];
	s1 =	srdreg.scid  }
0x3: {  	s9 =	stileid.u32;
	s10 =	rddreg [dreg:$0x2]  }
0x4: {  	s4 =	simm.s32 $0x0;
	s1 =	sand.u32 $0x1, s1;
	s3 =	sshll.u32 s9, $0x1  }
0x5: {  	s28 =	simm.s32 $0x80;
	s3 =	sor.u32 s1, s3;
	s21 =	ssub.s32 $0x2, s1  }
0x6: {  	s30 =	simm.s32 $0x400;
	s5 =	smul.u32 $0x6400, s3;
	s8 =	sshrl.u32 s21, $0x1  }
0x7: {  	s31 =	simm.s32 $0x3;
	s6 =	sadd.s32 $0x400, s0;
	s0 =	ssub.s32 s21, s8  }
0x8: {  	[smem:$0x7FF] =	sst s4;
	s7 =	sshrl.u32 s5, $0x3;
	s0 =	smax.u32 s0, $0x1  }
0x9: {  	_ =	strace $0x80000047;
	s11 =	sadd.s32 s6, s7;
	[dreg:$0xe] =	wrdreg s0  }
0xa: {  	s24 =	smul.u32 $0x640000, s9;
	s7 =	sadd.s32 $0x10, s11;
	[dreg:$0x4] =	wrdreg s11  }
0xb: {  	s3 =	smul.u32 $0x320000, s3;
	s22 =	sadd.s32 $0x20, s11;
	[dreg:$0x5] =	wrdreg s7  }
0xc: {  	s19 =	smul.u32 $0xC8000, s9;
	s23 =	sadd.s32 $0x30, s11;
	[dreg:$0x6] =	wrdreg s22  }
0xd: {  	s3 =	sshrl.u32 s3, $0x3;
	s25 =	sadd.s32 $0x40, s11;
	[dreg:$0x7] =	wrdreg s23  }
0xe: {  	s3 =	sadd.s32 s10, s3;
	s29 =	sadd.s32 $0x50, s11;
	[dreg:$0x8] =	wrdreg s25  }
0xf: {  	s9 =	simm.s32 $0x10;
	s12 =	sadd.s32 $0x62000, s3;
	[dreg:$0x9] =	wrdreg s29  }
0x10: {  	s26 =	smul.u32 $0x320000, s1;
	s13 =	sadd.s32 $0x62800, s3;
	[dreg:$0xa] =	wrdreg s12  }
0x11: {  	s1 =	smul.u32 $0x64000, s1;
	s14 =	sadd.s32 $0x63000, s3;
	[dreg:$0xb] =	wrdreg s13  }
0x12: {  	s15 =	sadd.s32 $0x63800, s3;
	s16 =	sadd.s32 $0x61000, s3;
	[dreg:$0xc] =	wrdreg s14  }
0x13: {  	s3 =	simm.s32 $0x0;
	[dreg:$0xd] =	wrdreg s15;
	s7 =	sadd.s32 s26, s24  }
0x14: {  	[dreg:$0xf] =	wrdreg s16;
	s23 =	sadd.s32 s1, s19;
	s29 =	sadd.s32 $0x60, s11  }
0x15: {  	s11 =	simm.s32 $0x11;
	s13 =	simm.s32 $0x12;
	s14 =	simm.s32 $0xC400  }
0x16: {  	s1 =	simm.s32 $0x2;
	s16 =	simm.s32 $0x9;
	s19 =	simm.s32 $0xA  }
0x17: {  	s17 =	sor.u32 $0x18000, s7;
	s18 =	sor.u32 $0x14000, s7;
	s8 =	sor.u32 $0x10000, s7  }
0x18: {  	s20 =	sor.u32 $0xC000, s7;
	[dreg:$0x14] =	wrdreg s23;
	s24 =	sor.u32 $0x8000, s7  }
0x19: {  	s25 =	sor.u32 $0x4000, s7;
	[dreg:$0x17] =	wrdreg s29;
	s7 =	simm.s32 $0x15  }
0x1a: {  	s23 =	simm.s32 $0xD;
	s0 =	sshrl.u32 s17, $0x3;
	s21 =	sshrl.u32 s8, $0x3  }
0x1b: {  	s22 =	sshrl.u32 s20, $0x3;
	s26 =	sshrl.u32 s25, $0x3;
	[dreg:$0x10] =	wrdreg s0  }
.Ltmp0:
0x1c: {  	s17 =	simm.s32 $0x14;
	[dreg:$0x12] =	wrdreg s21;
	(pc) =	sbr.rel .LBB2_1-.Ltmp0, $4  }
0x1d: {  	s20 =	simm.s32 $0x5;
	s0 =	sshrl.u32 s18, $0x3;
	[dreg:$0x13] =	wrdreg s22  }
0x1e: {  	[dreg:$0x16] =	wrdreg s26;
	s26 =	simm.s32 $0x1;
	s18 =	simm.s32 $0x4  }
0x1f: {  	s21 =	simm.s32 $0xB;
	[dreg:$0x11] =	wrdreg s0;
	s0 =	sshrl.u32 s24, $0x3  }
0x20: {  	s22 =	simm.s32 $0x6;
	[dreg:$0x15] =	wrdreg s0;
	s0 =	simm.s32 $0x8  }
.LBB2_4:
0x21: {  	_ =	swait.ge [sflag:s26], $0x4000  }
0x22: {  	s30 =	simm.s32 $0x400;
	[sflag:s26] =	ssyncset.done $0x0  }
0x23: {  	s3 =	simm.s32 $0xE;
	s8 =	rddreg [dreg:$0xa];
	[sflag:s26] =	ssyncadd.s32 $0xFFFFC000  }
0x24: {  	[hbm4b:s8+s4] =	stream.linear.scatter [tilespmem:s30], [sflag:$0x8], $0x4000, $0x38;
	[tilespmem:$0x1C400] =	vst v63  }
0x25: {  	_ =	swait.ge [sflag:s3], $0x4000  }
0x26: {  	[sflag:s3] =	ssyncset.done $0x0  }
0x27: {  	[sflag:s3] =	ssyncadd.s32 $0xFFFFC000  }
0x28: {  	_ =	swait.ge [sflag:s1], $0x4000  }
0x29: {  	[sflag:s1] =	ssyncset.done $0x0  }
0x2a: {  	s10 =	simm.s32 $0x4400;
	s12 =	rddreg [dreg:$0xb];
	[sflag:s1] =	ssyncadd.s32 $0xFFFFC000  }
0x2b: {  	[hbm4b:s12+s4] =	stream.linear.scatter [tilespmem:s10], [sflag:$0x9], $0x4000, $0x38;
	[tilespmem:$0x1C400] =	vst v63  }
0x2c: {  	_ =	swait.ge [sflag:s0], $0x4000  }
0x2d: {  	[sflag:s0] =	ssyncset.done $0x0  }
0x2e: {  	[sflag:s0] =	ssyncadd.s32 $0xFFFFC000  }
0x2f: {  	_ =	swait.ge [sflag:s31], $0x4000  }
0x30: {  	[sflag:s31] =	ssyncset.done $0x0  }
0x31: {  	s15 =	simm.s32 $0x8400;
	s14 =	rddreg [dreg:$0xc];
	[sflag:s31] =	ssyncadd.s32 $0xFFFFC000  }
0x32: {  	[hbm4b:s14+s4] =	stream.linear.scatter [tilespmem:s15], [sflag:$0xA], $0x4000, $0x38;
	[tilespmem:$0x1C400] =	vst v63  }
0x33: {  	_ =	swait.ge [sflag:s16], $0x4000  }
0x34: {  	[sflag:s16] =	ssyncset.done $0x0  }
0x35: {  	[sflag:s16] =	ssyncadd.s32 $0xFFFFC000  }
0x36: {  	_ =	swait.ge [sflag:s18], $0x4000  }
0x37: {  	[sflag:s18] =	ssyncset.done $0x0  }
0x38: {  	s14 =	simm.s32 $0xC400;
	s24 =	rddreg [dreg:$0xd];
	[sflag:s18] =	ssyncadd.s32 $0xFFFFC000  }
0x39: {  	[hbm4b:s24+s4] =	stream.linear.scatter [tilespmem:s14], [sflag:$0xB], $0x4000, $0x38;
	[tilespmem:$0x1C400] =	vst v63  }
0x3a: {  	_ =	swait.ge [sflag:s19], $0x4000  }
0x3b: {  	[sflag:s19] =	ssyncset.done $0x0  }
0x3c: {  	[sflag:s19] =	ssyncadd.s32 $0xFFFFC000  }
0x3d: {  	_ =	swait.ge [sflag:s21], $0x4000  }
0x3e: {  	s25 =	rddreg [dreg:$0x18]  }
0x3f: {  	s29 =	rddreg [dreg:$0xe];
	s3 =	sadd.s32 $0x1, s25  }
0x40: {  	p0 =	sne.s32 s3, s29  }
.Ltmp1:
0x41: {  	_ = 	snop;
	(pc) =	sbr.rel @!p0 .LBB2_5-.Ltmp1, $3  }
0x42: {  	_ =	sdelay $0x1  }
0x43: {  	[sflag:s21] =	ssyncset.done $0x0  }
0x44: {  	[sflag:s21] =	ssyncadd.s32 $0xFFFFC000  }
.LBB2_1:
0x45: {  	[dreg:$0x18] =	wrdreg s3  }
0x46: {  	s8 =	rddreg [dreg:$0x4]  }
0x47: {  	[tilespmem:s4], [sflag:$0xF] =	stream.linear.gather [hbm4b:s8+s4], $0x80, $0x38;
	[tilespmem:$0x1C400] =	vst v63  }
0x48: {  	s10 =	rddreg [dreg:$0x5]  }
0x49: {  	[tilespmem:s28], [sflag:$0x10] =	stream.linear.gather [hbm4b:s10+s4], $0x80, $0x38;
	[tilespmem:$0x1C400] =	vst v63  }
0x4a: {  	s12 =	rddreg [dreg:$0x6];
	s10 =	simm.s32 $0x100  }
0x4b: {  	[tilespmem:s10], [sflag:$0x11] =	stream.linear.gather [hbm4b:s12+s4], $0x80, $0x38;
	[tilespmem:$0x1C400] =	vst v63  }
0x4c: {  	s24 =	rddreg [dreg:$0x7];
	s12 =	simm.s32 $0x180  }
0x4d: {  	[tilespmem:s12], [sflag:$0x12] =	stream.linear.gather [hbm4b:s24+s4], $0x80, $0x38;
	[tilespmem:$0x1C400] =	vst v63  }
0x4e: {  	s25 =	rddreg [dreg:$0x8];
	s24 =	simm.s32 $0x200  }
0x4f: {  	[tilespmem:s24], [sflag:$0x13] =	stream.linear.gather [hbm4b:s25+s4], $0x80, $0x38;
	[tilespmem:$0x1C400] =	vst v63  }
0x50: {  	s29 =	rddreg [dreg:$0x9];
	s25 =	simm.s32 $0x280  }
0x51: {  	[tilespmem:s25], [sflag:$0x14] =	stream.linear.gather [hbm4b:s29+s4], $0x80, $0x38;
	[tilespmem:$0x1C400] =	vst v63  }
0x52: {  	s3 =	rddreg [dreg:$0x17];
	s29 =	simm.s32 $0x300  }
0x53: {  	[tilespmem:s29], [sflag:$0x15] =	stream.linear.gather [hbm4b:s3+s4], $0x80, $0x38;
	[tilespmem:$0x1C400] =	vst v63  }
0x54: {  	s29 =	simm.s32 $0xF  }
0x55: {  	_ =	swait.ge [sflag:s29], $0x80  }
0x56: {  	[sflag:s29] =	ssyncset.done $0x0  }
0x57: {  	[sflag:s29] =	ssyncadd.s32 $0xFFFFFF80  }
0x58: {  	[tilespmem:s30], [sflag:$0x1] =	stream.indirect.gather [hbm4b:s2+s28], $0x80, s4, s28, $0xb8;
	[tilespmem:$0x1C400] =	vst v63  }
0x59: {  	_ =	swait.ge [sflag:s9], $0x80  }
0x5a: {  	[sflag:s9] =	ssyncset.done $0x0  }
0x5b: {  	s8 =	simm.s32 $0x4400;
	[sflag:s9] =	ssyncadd.s32 $0xFFFFFF80  }
0x5c: {  	[tilespmem:s8], [sflag:$0x2] =	stream.indirect.gather [hbm4b:s2+s28], $0x80, s28, s28, $0xb8;
	[tilespmem:$0x1C400] =	vst v63  }
0x5d: {  	_ =	swait.ge [sflag:s11], $0x80  }
0x5e: {  	[sflag:s11] =	ssyncset.done $0x0  }
0x5f: {  	s15 =	simm.s32 $0x8400;
	[sflag:s11] =	ssyncadd.s32 $0xFFFFFF80  }
0x60: {  	[tilespmem:s15], [sflag:$0x3] =	stream.indirect.gather [hbm4b:s2+s28], $0x80, s10, s28, $0xb8;
	[tilespmem:$0x1C400] =	vst v63  }
0x61: {  	_ =	swait.ge [sflag:s13], $0x80  }
0x62: {  	[sflag:s13] =	ssyncset.done $0x0  }
0x63: {  	s15 =	simm.s32 $0x13;
	[sflag:s13] =	ssyncadd.s32 $0xFFFFFF80  }
0x64: {  	[tilespmem:s14], [sflag:$0x4] =	stream.indirect.gather [hbm4b:s2+s28], $0x80, s12, s28, $0xb8;
	[tilespmem:$0x1C400] =	vst v63  }
0x65: {  	_ =	swait.ge [sflag:s15], $0x80  }
0x66: {  	[sflag:s15] =	ssyncset.done $0x0  }
0x67: {  	s29 =	simm.s32 $0x10400;
	[sflag:s15] =	ssyncadd.s32 $0xFFFFFF80  }
0x68: {  	[tilespmem:s29], [sflag:$0x5] =	stream.indirect.gather [hbm4b:s2+s28], $0x80, s24, s28, $0xb8;
	[tilespmem:$0x1C400] =	vst v63  }
0x69: {  	_ =	swait.ge [sflag:s17], $0x80  }
0x6a: {  	[sflag:s17] =	ssyncset.done $0x0  }
0x6b: {  	s30 =	simm.s32 $0x14400;
	[sflag:s17] =	ssyncadd.s32 $0xFFFFFF80  }
0x6c: {  	[tilespmem:s30], [sflag:$0x6] =	stream.indirect.gather [hbm4b:s2+s28], $0x80, s25, s28, $0xb8;
	[tilespmem:$0x1C400] =	vst v63  }
0x6d: {  	s24 =	simm.s32 $0x680;
	s25 =	rddreg [dreg:$0x2]  }
.LBB2_2:
0x6e: {  	s29 =	sadd.s32 $0xFFFFFD00, s24  }
0x6f: {  	s30 =	sand.u32 $0xFC00, s29  }
0x70: {  	s29 =	sand.u32 $0x380, s29;
	s30 =	sadd.s32 s5, s30  }
0x71: {  	_ =	swait.ge [sflag:s26], $0x4000;
	s29 =	sor.u32 s29, s30  }
0x72: {  	p0 =	seq.s32 s24, $0x680;
	[sflag:s26] =	ssyncset.done $0x0;
	s29 =	sshrl.u32 s29, $0x3  }
0x73: {  	s8 =	rddreg [dreg:$0x14];
	[sflag:s26] =	ssyncadd.s32 $0xFFFFC000;
	s29 =	sadd.s32 s6, s29  }
0x74: {  	[tilespmem:s4], [sflag:$0xF] =	stream.linear.gather [hbm4b:s29+s4], $0x80, $0x38;
	[tilespmem:$0x1C400] =	vst v63  }
0x75: {  	s10 =	simm.s32 $0x400;
	s30 =	sadd.s32 s25, s8;
	s29 =	simm.s32 @!p0 $0xE  }
0x76: {  	[hbm4b:s30+s4] =	stream.linear.scatter [tilespmem:s10], [sflag:$0x8], $0x4000, $0x38;
	[tilespmem:$0x1C400] =	vst v63  }
0x77: {  	_ =	swait.ge @!p0 [sflag:s29], $0x4000  }
0x78: {  	[sflag:s29] =	ssyncset.done @!p0 $0x0  }
0x79: {  	s3 =	simm.s32 $0x300;
	[sflag:s29] =	ssyncadd.s32 @!p0 $0xFFFFC000  }
0x7a: {  	s14 =	simm.s32 $0x18400;
	s12 =	sadd.s32 $0xFFFFFD80, s24;
	_ =	swait.ge [sflag:s7], $0x80  }
0x7b: {  	s15 =	sadd.s32 $0xFFFFF980, s24;
	s29 =	sand.u32 $0xFC00, s12;
	[sflag:s7] =	ssyncset.done $0x0  }
0x7c: {  	s30 =	sand.u32 $0x380, s15;
	s29 =	sadd.s32 s5, s29;
	[sflag:s7] =	ssyncadd.s32 $0xFFFFFF80  }
0x7d: {  	[tilespmem:s14], [sflag:$0x7] =	stream.indirect.gather [hbm4b:s2+s28], $0x80, s3, s28, $0xb8;
	[tilespmem:$0x1C400] =	vst v63  }
0x7e: {  	s29 =	sor.u32 s30, s29;
	_ =	swait.ge [sflag:s1], $0x4000  }
0x7f: {  	s29 =	sshrl.u32 s29, $0x3;
	[sflag:s1] =	ssyncset.done $0x0  }
0x80: {  	s29 =	sadd.s32 s6, s29;
	s3 =	rddreg [dreg:$0x16];
	[sflag:s1] =	ssyncadd.s32 $0xFFFFC000  }
0x81: {  	[tilespmem:s28], [sflag:$0x10] =	stream.linear.gather [hbm4b:s29+s4], $0x80, $0x38;
	[tilespmem:$0x1C400] =	vst v63  }
0x82: {  	s12 =	simm.s32 $0x4400;
	s8 =	sadd.s32 s25, s3  }
0x83: {  	[hbm4b:s8+s4] =	stream.linear.scatter [tilespmem:s12], [sflag:$0x9], $0x4000, $0x38;
	[tilespmem:$0x1C400] =	vst v63  }
0x84: {  	_ =	swait.ge [sflag:s0], $0x4000  }
0x85: {  	[sflag:s0] =	ssyncset.done $0x0  }
0x86: {  	s3 =	simm.s32 $0xF;
	[sflag:s0] =	ssyncadd.s32 $0xFFFFC000  }
0x87: {  	_ =	swait.ge [sflag:s3], $0x80  }
0x88: {  	[sflag:s3] =	ssyncset.done $0x0  }
0x89: {  	[sflag:s3] =	ssyncadd.s32 $0xFFFFFF80  }
0x8a: {  	[tilespmem:s10], [sflag:$0x1] =	stream.indirect.gather [hbm4b:s2+s28], $0x80, s4, s28, $0xb8;
	[tilespmem:$0x1C400] =	vst v63  }
0x8b: {  	s10 =	sadd.s32 $0xFFFFFE00, s24  }
0x8c: {  	s15 =	sand.u32 $0xFC00, s10  }
0x8d: {  	s29 =	sand.u32 $0x380, s10;
	s30 =	sadd.s32 s5, s15  }
0x8e: {  	_ =	swait.ge [sflag:s31], $0x4000;
	s29 =	sor.u32 s29, s30  }
0x8f: {  	s10 =	simm.s32 $0x100;
	[sflag:s31] =	ssyncset.done $0x0;
	s29 =	sshrl.u32 s29, $0x3  }
0x90: {  	[sflag:s31] =	ssyncadd.s32 $0xFFFFC000;
	s30 =	rddreg [dreg:$0x15];
	s29 =	sadd.s32 s6, s29  }
0x91: {  	[tilespmem:s10], [sflag:$0x11] =	stream.linear.gather [hbm4b:s29+s4], $0x80, $0x38;
	[tilespmem:$0x1C400] =	vst v63  }
0x92: {  	s15 =	simm.s32 $0x8400;
	s3 =	sadd.s32 s25, s30  }
0x93: {  	[hbm4b:s3+s4] =	stream.linear.scatter [tilespmem:s15], [sflag:$0xA], $0x4000, $0x38;
	[tilespmem:$0x1C400] =	vst v63  }
0x94: {  	_ =	swait.ge [sflag:s16], $0x4000  }
0x95: {  	[sflag:s16] =	ssyncset.done $0x0  }
0x96: {  	[sflag:s16] =	ssyncadd.s32 $0xFFFFC000  }
0x97: {  	_ =	swait.ge [sflag:s9], $0x80  }
0x98: {  	[sflag:s9] =	ssyncset.done $0x0  }
0x99: {  	s8 =	sadd.s32 $0xFFFFFE80, s24;
	[sflag:s9] =	ssyncadd.s32 $0xFFFFFF80  }
0x9a: {  	[tilespmem:s12], [sflag:$0x2] =	stream.indirect.gather [hbm4b:s2+s28], $0x80, s28, s28, $0xb8;
	[tilespmem:$0x1C400] =	vst v63  }
0x9b: {  	s12 =	sand.u32 $0xFC00, s8  }
0x9c: {  	s29 =	sand.u32 $0x380, s8;
	s30 =	sadd.s32 s5, s12  }
0x9d: {  	_ =	swait.ge [sflag:s18], $0x4000;
	s29 =	sor.u32 s29, s30  }
0x9e: {  	s12 =	simm.s32 $0x180;
	[sflag:s18] =	ssyncset.done $0x0;
	s29 =	sshrl.u32 s29, $0x3  }
0x9f: {  	s3 =	rddreg [dreg:$0x13];
	[sflag:s18] =	ssyncadd.s32 $0xFFFFC000;
	s29 =	sadd.s32 s6, s29  }
0xa0: {  	[tilespmem:s12], [sflag:$0x12] =	stream.linear.gather [hbm4b:s29+s4], $0x80, $0x38;
	[tilespmem:$0x1C400] =	vst v63  }
0xa1: {  	s8 =	sadd.s32 s25, s3;
	s3 =	simm.s32 $0xC400  }
0xa2: {  	[hbm4b:s8+s4] =	stream.linear.scatter [tilespmem:s3], [sflag:$0xB], $0x4000, $0x38;
	[tilespmem:$0x1C400] =	vst v63  }
0xa3: {  	_ =	swait.ge [sflag:s19], $0x4000  }
0xa4: {  	[sflag:s19] =	ssyncset.done $0x0  }
0xa5: {  	p0 =	seq.s32 s24, $0x6500;
	[sflag:s19] =	ssyncadd.s32 $0xFFFFC000  }
0xa6: {  	s29 =	sadd.s32 @!p0 $0xFFFFFF00, s24;
	_ =	swait.ge [sflag:s11], $0x80  }
0xa7: {  	s30 =	sand.u32 @!p0 $0xFC00, s29;
	[sflag:s11] =	ssyncset.done $0x0  }
0xa8: {  	s29 =	sand.u32 @!p0 $0x380, s29;
	s30 =	sadd.s32 @!p0 s5, s30;
	[sflag:s11] =	ssyncadd.s32 $0xFFFFFF80  }
0xa9: {  	[tilespmem:s15], [sflag:$0x3] =	stream.indirect.gather [hbm4b:s2+s28], $0x80, s10, s28, $0xb8;
	[tilespmem:$0x1C400] =	vst v63  }
0xaa: {  	s29 =	sor.u32 @!p0 s29, s30;
	_ =	swait.ge [sflag:s20], $0x4000  }
0xab: {  	s8 =	simm.s32 @!p0 $0x200;
	s29 =	sshrl.u32 @!p0 s29, $0x3;
	[sflag:s20] =	ssyncset.done $0x0  }
0xac: {  	s30 =	simm.s32 @!p0 $0x0;
	s29 =	sadd.s32 @!p0 s6, s29;
	[sflag:s20] =	ssyncadd.s32 $0xFFFFC000  }
0xad: {  	[tilespmem:s8], [sflag:$0x13] =	stream.linear.gather @!p0 [hbm4b:s29+s30], $0x80, $0x38;
	[tilespmem:$0x1C400] =	vst v63  }
0xae: {  	s29 =	rddreg [dreg:$0x12]  }
0xaf: {  	s15 =	simm.s32 $0x10400;
	s10 =	sadd.s32 s25, s29  }
0xb0: {  	[hbm4b:s10+s4] =	stream.linear.scatter [tilespmem:s15], [sflag:$0xC], $0x4000, $0x38;
	[tilespmem:$0x1C400] =	vst v63  }
0xb1: {  	_ =	swait.ge [sflag:s21], $0x4000  }
0xb2: {  	[sflag:s21] =	ssyncset.done $0x0  }
0xb3: {  	[sflag:s21] =	ssyncadd.s32 $0xFFFFC000  }
0xb4: {  	_ =	swait.ge [sflag:s13], $0x80  }
0xb5: {  	[sflag:s13] =	ssyncset.done $0x0  }
0xb6: {  	[sflag:s13] =	ssyncadd.s32 $0xFFFFFF80  }
0xb7: {  	[tilespmem:s3], [sflag:$0x4] =	stream.indirect.gather [hbm4b:s2+s28], $0x80, s12, s28, $0xb8;
	[tilespmem:$0x1C400] =	vst v63  }
0xb8: {  	_ =	swait.ge [sflag:s22], $0x4000  }
0xb9: {  	s29 =	simm.s32 @p0 $0x0;
	[sflag:s22] =	ssyncset.done $0x0  }
0xba: {  	s10 =	simm.s32 @p0 $0x14400;
	s12 =	rddreg [dreg:$0xf];
	[sflag:s22] =	ssyncadd.s32 $0xFFFFC000  }
0xbb: {  	[hbm4b:s12+s29] =	stream.linear.scatter @p0 [tilespmem:s10], [sflag:$0xD], $0x4000, $0x38;
	[tilespmem:$0x1C400] =	vst v63  }
0xbc: {  	s10 =	simm.s32 @p0 $0xC  }
0xbd: {  	_ =	swait.ge @p0 [sflag:s10], $0x4000  }
0xbe: {  	s29 =	sadd.s32 @!p0 $0xFFFFFF80, s24;
	[sflag:s10] =	ssyncset.done @p0 $0x0  }
0xbf: {  	[sflag:s10] =	ssyncadd.s32 @p0 $0xFFFFC000;
	s10 =	sand.u32 @!p0 $0xFC00, s29  }
0xc0: {  	s12 =	simm.s32 @p0 $0x7;
	s29 =	sand.u32 @!p0 $0x380, s29;
	s10 =	sadd.s32 @!p0 s5, s10  }
0xc1: {  	_ =	swait.ge @p0 [sflag:s12], $0x4000;
	s10 =	sor.u32 @!p0 s29, s10  }
0xc2: {  	[sflag:s12] =	ssyncset.done @p0 $0x0;
	s10 =	sshrl.u32 @!p0 s10, $0x3  }
0xc3: {  	[sflag:s12] =	ssyncadd.s32 @p0 $0xFFFFC000;
	s12 =	simm.s32 @!p0 $0x280;
	s10 =	sadd.s32 @!p0 s6, s10  }
0xc4: {  	[tilespmem:s12], [sflag:$0x14] =	stream.linear.gather @!p0 [hbm4b:s10+s30], $0x80, $0x38;
	[tilespmem:$0x1C400] =	vst v63  }
0xc5: {  	s10 =	rddreg [dreg:$0x11]  }
0xc6: {  	s12 =	simm.s32 @!p0 $0x14400;
	s10 =	sadd.s32 @!p0 s25, s10  }
0xc7: {  	[hbm4b:s10+s30] =	stream.linear.scatter @!p0 [tilespmem:s12], [sflag:$0xD], $0x4000, $0x38;
	[tilespmem:$0x1C400] =	vst v63  }
0xc8: {  	s10 =	simm.s32 @!p0 $0xC  }
0xc9: {  	_ =	swait.ge @!p0 [sflag:s10], $0x4000  }
0xca: {  	[sflag:s10] =	ssyncset.done @!p0 $0x0  }
0xcb: {  	[sflag:s10] =	ssyncadd.s32 @!p0 $0xFFFFC000;
	s10 =	simm.s32 @!p0 $0x13  }
0xcc: {  	_ =	swait.ge @!p0 [sflag:s10], $0x80  }
0xcd: {  	[sflag:s10] =	ssyncset.done @!p0 $0x0  }
0xce: {  	s12 =	simm.s32 @!p0 $0x10400;
	[sflag:s10] =	ssyncadd.s32 @!p0 $0xFFFFFF80;
	s10 =	simm.s32 @!p0 $0x80  }
0xcf: {  	[tilespmem:s12], [sflag:$0x5] =	stream.indirect.gather @!p0 [hbm4b:s2+s10], $0x80, s8, s10, $0xb8;
	[tilespmem:$0x1C400] =	vst v63  }
0xd0: {  	s8 =	sand.u32 @!p0 $0xFC00, s24  }
0xd1: {  	s10 =	simm.s32 @!p0 $0x7;
	s12 =	sand.u32 @!p0 $0x380, s24;
	s8 =	sadd.s32 @!p0 s5, s8  }
0xd2: {  	_ =	swait.ge @!p0 [sflag:s10], $0x4000;
	s8 =	sor.u32 @!p0 s12, s8  }
0xd3: {  	[sflag:s10] =	ssyncset.done @!p0 $0x0;
	s8 =	sshrl.u32 @!p0 s8, $0x3  }
0xd4: {  	[sflag:s10] =	ssyncadd.s32 @!p0 $0xFFFFC000;
	s10 =	simm.s32 @!p0 $0x300;
	s8 =	sadd.s32 @!p0 s6, s8  }
0xd5: {  	[tilespmem:s10], [sflag:$0x15] =	stream.linear.gather @!p0 [hbm4b:s8+s30], $0x80, $0x38;
	[tilespmem:$0x1C400] =	vst v63  }
0xd6: {  	s30 =	rddreg [dreg:$0x10]  }
.Ltmp2:
0xd7: {  	s8 =	sadd.s32 s25, s30;
	(pc) =	sbr.rel @p0 .LBB2_4-.Ltmp2, $4  }
0xd8: {  	[hbm4b:s8+s4] =	stream.linear.scatter [tilespmem:s14], [sflag:$0xE], $0x4000, $0x38;
	[tilespmem:$0x1C400] =	vst v63  }
0xd9: {  	_ =	swait.ge [sflag:s23], $0x4000  }
0xda: {  	[sflag:s23] =	ssyncset.done $0x0  }
0xdb: {  	[sflag:s23] =	ssyncadd.s32 $0xFFFFC000  }
.Ltmp3:
0xdc: {  	(pc) =	sbr.rel .LBB2_2-.Ltmp3, $4  }
0xdd: {  	_ =	swait.ge [sflag:s17], $0x80  }
0xde: {  	s8 =	simm.s32 $0x280;
	s10 =	simm.s32 $0x14400;
	[sflag:s17] =	ssyncset.done $0x0  }
0xdf: {  	s25 =	sadd.s32 $0x3800, s25;
	s24 =	sadd.s32 $0x380, s24;
	[sflag:s17] =	ssyncadd.s32 $0xFFFFFF80  }
0xe0: {  	[tilespmem:s10], [sflag:$0x6] =	stream.indirect.gather [hbm4b:s2+s28], $0x80, s8, s28, $0xb8;
	[tilespmem:$0x1C400] =	vst v63  }
.LBB2_5:
0xe1: {  	_ =	sfence.sel $0x180000  }
0xe2: {  	[bflag:$0x0] =	sbarrier.arrive $0xFFFF  }
0xe3: {  	_ =	strace $0x90000047  }
0xe4: {  	s0 =	stileid.u32;
	[bflag:$0x2] =	sbarrier.arrive $0xFFFF  }
0xe5: {  	p0 =	sne.s32 s0, $0x0;
	s0 =	rddreg [dreg:$0x3]  }
0xe6: {  	s0 =	sadd.s32 @!p0 $0x100000, s0  }
0xe7: {  	[sflag:s0] =	ssyncadd.tile.s32 @!p0 $0x1;
	_ =	shalt  }
.Lfunc_end2:
_tile_overlayer_lowered:
.L_overlay_start_2:
0xe8: {  	(tag) =	ssettag $0x2  }
0xe9: {  	s0 =	rddreg [dreg:$0x0];
	s2 =	stileid.u32  }
0xea: {  	s1 =	rddreg [dreg:$0x1];
	p0 =	sne.s32 s2, $0x0  }
0xeb: {  	s3 =	rddreg [dreg:$0x2];
	[bflag:$0x3] =	sbarrier.arrive $0xFFFF;
	s2 =	simm.s32 @!p0 $0x1C16  }
0xec: {  	[timem:s3], [sflag:s2] =	dma.local @!p0 [hbm:s0], s1  }
0xed: {  	s0 =	simm.s32 @!p0 $0x16  }
0xee: {  	_ =	swait.ge @!p0 [sflag:s0], s1  }
0xef: {  	s1 =	ssub.s32 @!p0 $0x0, s1;
	[sflag:s0] =	ssyncset.done @!p0 $0x0  }
0xf0: {  	[sflag:s0] =	ssyncadd.s32 @!p0 s1  }
0xf1: {  	[bflag:$0x3] =	sbarrier.arrive $0xFFFF  }
0xf2: {  	_ =	shalt  }

</sc_bundles>
